<compile_context>
chip_gen: v7x
topology: tpu7x:2x2x1
jax: 0.10.2.dev20260603
libtpu: 0.0.44.dev20260713+nightly
codegen_flags: <defaults>
</compile_context>

<pallas_src>
import functools

import jax
import jax.numpy as jnp
from jax import lax
from jax.experimental import pallas as pl

N_NODES = 10000
N_EDGES = 160000
LATDIM = 256
HEAD = 4
DH = LATDIM // HEAD

_NODE_BLK = 1024
_EDGE_BLK = 2048


def _qkv_body(e_ref, wq_ref, wk_ref, wv_ref, q_ref, k_ref, v_ref):
    e = e_ref[...]
    q_ref[...] = jnp.dot(e, wq_ref[...], preferred_element_type=jnp.float32)
    k_ref[...] = jnp.dot(e, wk_ref[...], preferred_element_type=jnp.float32)
    v_ref[...] = jnp.dot(e, wv_ref[...], preferred_element_type=jnp.float32)


def _qkv(embeds, qT, kT, vT):
    n = embeds.shape[0]
    grid = (pl.cdiv(n, _NODE_BLK),)
    spec_e = pl.BlockSpec((_NODE_BLK, LATDIM), lambda i: (i, 0))
    spec_w = pl.BlockSpec((LATDIM, LATDIM), lambda i: (0, 0))
    out = jax.ShapeDtypeStruct((n, LATDIM), jnp.float32)
    return pl.pallas_call(
        _qkv_body,
        grid=grid,
        in_specs=[spec_e, spec_w, spec_w, spec_w],
        out_specs=[spec_e, spec_e, spec_e],
        out_shape=[out, out, out],
    )(embeds, qT, kT, vT)


def _score_body(q_ref, k_ref, f_ref, o_ref):
    prod = q_ref[...] * k_ref[...]
    cols = []
    for h in range(HEAD):
        s = jnp.sum(prod[:, h * DH:(h + 1) * DH], axis=1, keepdims=True)
        cols.append(s)
    att = jnp.concatenate(cols, axis=1)
    att = jnp.clip(att, -10.0, 10.0) + f_ref[:, :HEAD]
    o_ref[...] = jnp.exp(att)


def _scores(qr, kc, fc):
    e = qr.shape[0]
    grid = (pl.cdiv(e, _EDGE_BLK),)
    spec_qk = pl.BlockSpec((_EDGE_BLK, LATDIM), lambda i: (i, 0))
    spec_f = pl.BlockSpec((_EDGE_BLK, HEAD), lambda i: (i, 0))
    return pl.pallas_call(
        _score_body,
        grid=grid,
        in_specs=[spec_qk, spec_qk, spec_f],
        out_specs=spec_f,
        out_shape=jax.ShapeDtypeStruct((e, HEAD), jnp.float32),
    )(qr, kc, fc)


def _weight_body(a_ref, n_ref, v_ref, o_ref):
    att = a_ref[...] / (n_ref[...] + 1e-8)
    v = v_ref[...]
    cols = []
    for h in range(HEAD):
        cols.append(att[:, h:h + 1] * v[:, h * DH:(h + 1) * DH])
    o_ref[...] = jnp.concatenate(cols, axis=1)


def _weighted_v(expatt, normr, vc):
    e = vc.shape[0]
    grid = (pl.cdiv(e, _EDGE_BLK),)
    spec_a = pl.BlockSpec((_EDGE_BLK, HEAD), lambda i: (i, 0))
    spec_v = pl.BlockSpec((_EDGE_BLK, LATDIM), lambda i: (i, 0))
    return pl.pallas_call(
        _weight_body,
        grid=grid,
        in_specs=[spec_a, spec_a, spec_v],
        out_specs=spec_v,
        out_shape=jax.ShapeDtypeStruct((e, LATDIM), jnp.float32),
    )(expatt, normr, vc)


def kernel(adj, embeds, qTrans, kTrans, vTrans, filt):
    rows = adj[0, :]
    cols = adj[1, :]
    n = embeds.shape[0]

    q, k, v = _qkv(embeds, qTrans, kTrans, vTrans)

    qr = q[rows]
    kc = k[cols]
    vc = v[cols]
    fc = filt[cols]

    expatt = _scores(qr, kc, fc)

    attnorm = jnp.zeros((n, HEAD), jnp.float32).at[rows].add(expatt)
    normr = attnorm[rows]

    res = _weighted_v(expatt, normr, vc)
    out = jnp.zeros((n, LATDIM), jnp.float32).at[rows].add(res)
    return out

# --- scband reference (transcript-rebuilt; emitter-appended) ---
"""Pipeline reference for scband-gtlayer-1683627180463 (READ-ONLY COPY).

The authoritative reference and input builder live on the scoring server;
editing this copy changes nothing except your own understanding.
"""

import jax, jax.numpy as jnp
import numpy as np

N_NODES = 10000
N_EDGES = 160000
LATDIM = 256
HEAD = 4

def setup_inputs(seed: int = 0) -> dict:
    key = jax.random.key(seed)
    k1, k2, k3, k4, k5, k6 = jax.random.split(key, 6)
    adj = jax.random.randint(k1, (2, N_EDGES), 0, N_NODES, dtype=jnp.int32)
    embeds = jax.random.normal(k2, (N_NODES, LATDIM), dtype=jnp.float32)
    # xavier-uniform-like init for parameters
    bound_sq = float(np.sqrt(6.0 / (LATDIM + LATDIM)))
    qTrans = jax.random.uniform(k3, (LATDIM, LATDIM), dtype=jnp.float32, minval=-bound_sq, maxval=bound_sq)
    kTrans = jax.random.uniform(k4, (LATDIM, LATDIM), dtype=jnp.float32, minval=-bound_sq, maxval=bound_sq)
    vTrans = jax.random.uniform(k5, (LATDIM, LATDIM), dtype=jnp.float32, minval=-bound_sq, maxval=bound_sq)
    bound_f = float(np.sqrt(6.0 / (N_NODES + HEAD)))
    filt = jax.random.uniform(k6, (N_NODES, HEAD), dtype=jnp.float32, minval=-bound_f, maxval=bound_f)
    return {"adj": adj, "embeds": embeds, "qTrans": qTrans, "kTrans": kTrans, "vTrans": vTrans, "filt": filt}

def reference(adj, embeds, qTrans, kTrans, vTrans, filt):
    rows = adj[0, :]
    cols = adj[1, :]
    N, D = embeds.shape
    H = HEAD
    dh = D // H
    rowEmbeds = embeds[rows]
    colEmbeds = embeds[cols]
    qEmbeds = (rowEmbeds @ qTrans).reshape(-1, H, dh)
    kEmbeds = (colEmbeds @ kTrans).reshape(-1, H, dh)
    vEmbeds = (colEmbeds @ vTrans).reshape(-1, H, dh)
    att = jnp.einsum('ehd,ehd->eh', qEmbeds, kEmbeds)
    att = jnp.clip(att, -10.0, 10.0)
    att = att + filt[cols]
    expAtt = jnp.exp(att)
    attNorm = jnp.zeros((N, H), dtype=expAtt.dtype).at[rows].add(expAtt)[rows]
    att = expAtt / (attNorm + 1e-08)
    resEmbeds = jnp.einsum('eh,ehd->ehd', att, vEmbeds).reshape(-1, D)
    out = jnp.zeros((N, D), dtype=resEmbeds.dtype).at[rows].add(resEmbeds)
    return out

if __name__ == "__main__":
    import jax
    _d = setup_inputs()
    print(jax.jit(kernel)(*tuple(_d.values())))

</pallas_src>

<mosaic_0001>
module attributes {stable_mosaic.version = 14 : i64} {
  func.func @_qkv_body(%arg0: i32, %arg1: memref<1024x256xf32, #tpu.memory_space<vmem>>, %arg2: memref<256x256xf32, #tpu.memory_space<vmem>>, %arg3: memref<256x256xf32, #tpu.memory_space<vmem>>, %arg4: memref<256x256xf32, #tpu.memory_space<vmem>>, %arg5: memref<1024x256xf32, #tpu.memory_space<vmem>>, %arg6: memref<1024x256xf32, #tpu.memory_space<vmem>>, %arg7: memref<1024x256xf32, #tpu.memory_space<vmem>>) attributes {dimension_semantics = [#tpu.dimension_semantics<arbitrary>], iteration_bounds = array<i64: 10>, scalar_prefetch = 0 : i64, scratch_operands = 0 : i64, tpu.core_type = #tpu.core_type<tc>, window_params = [{transform_indices = @transform_0, window_bounds = array<i64: 1024, 256>}, {pipeline_mode = #tpu.pipeline_mode<synchronous>, transform_indices = @transform_1, window_bounds = array<i64: 256, 256>}, {pipeline_mode = #tpu.pipeline_mode<synchronous>, transform_indices = @transform_2, window_bounds = array<i64: 256, 256>}, {pipeline_mode = #tpu.pipeline_mode<synchronous>, transform_indices = @transform_3, window_bounds = array<i64: 256, 256>}, {transform_indices = @transform_4, window_bounds = array<i64: 1024, 256>}, {transform_indices = @transform_5, window_bounds = array<i64: 1024, 256>}, {transform_indices = @transform_6, window_bounds = array<i64: 1024, 256>}]} {
    %get3A = arith.constant 0 : index
    %get3A_0 = arith.constant 0 : index
    %get3A_1 = vector.load %arg1[%get3A, %get3A_0] : memref<1024x256xf32, #tpu.memory_space<vmem>>, vector<1024x256xf32>
    %get3A_2 = arith.constant 0 : index
    %get3A_3 = arith.constant 0 : index
    %get3A_4 = vector.load %arg2[%get3A_2, %get3A_3] : memref<256x256xf32, #tpu.memory_space<vmem>>, vector<256x256xf32>
    %dot_general3A = arith.constant dense<0.000000e+00> : vector<1024x256xf32>
    %dot_general3A_5 = tpu.matmul %get3A_1, %get3A_4, %dot_general3A {dimension_numbers = #tpu.dot_dimension_numbers<[1], [0], [0], [1], [0, 0, 1, 1], [], []>, transpose_lhs_hint = false} : vector<1024x256xf32>, vector<256x256xf32>, vector<1024x256xf32> -> vector<1024x256xf32>
    %swap3A = arith.constant 0 : index
    %swap3A_6 = arith.constant 0 : index
    %swap3A_7 = vector.load %arg5[%swap3A, %swap3A_6] : memref<1024x256xf32, #tpu.memory_space<vmem>>, vector<1024x256xf32>
    tpu.vector_store %arg5[%swap3A, %swap3A_6], %dot_general3A_5 {strides = array<i32>} : memref<1024x256xf32, #tpu.memory_space<vmem>>, vector<1024x256xf32>,
    %get3A_8 = arith.constant 0 : index
    %get3A_9 = arith.constant 0 : index
    %get3A_10 = vector.load %arg3[%get3A_8, %get3A_9] : memref<256x256xf32, #tpu.memory_space<vmem>>, vector<256x256xf32>
    %dot_general3A_11 = arith.constant dense<0.000000e+00> : vector<1024x256xf32>
    %dot_general3A_12 = tpu.matmul %get3A_1, %get3A_10, %dot_general3A_11 {dimension_numbers = #tpu.dot_dimension_numbers<[1], [0], [0], [1], [0, 0, 1, 1], [], []>, transpose_lhs_hint = false} : vector<1024x256xf32>, vector<256x256xf32>, vector<1024x256xf32> -> vector<1024x256xf32>
    %swap3A_13 = arith.constant 0 : index
    %swap3A_14 = arith.constant 0 : index
    %swap3A_15 = vector.load %arg6[%swap3A_13, %swap3A_14] : memref<1024x256xf32, #tpu.memory_space<vmem>>, vector<1024x256xf32>
    tpu.vector_store %arg6[%swap3A_13, %swap3A_14], %dot_general3A_12 {strides = array<i32>} : memref<1024x256xf32, #tpu.memory_space<vmem>>, vector<1024x256xf32>,
    %get3A_16 = arith.constant 0 : index
    %get3A_17 = arith.constant 0 : index
    %get3A_18 = vector.load %arg4[%get3A_16, %get3A_17] : memref<256x256xf32, #tpu.memory_space<vmem>>, vector<256x256xf32>
    %dot_general3A_19 = arith.constant dense<0.000000e+00> : vector<1024x256xf32>
    %dot_general3A_20 = tpu.matmul %get3A_1, %get3A_18, %dot_general3A_19 {dimension_numbers = #tpu.dot_dimension_numbers<[1], [0], [0], [1], [0, 0, 1, 1], [], []>, transpose_lhs_hint = false} : vector<1024x256xf32>, vector<256x256xf32>, vector<1024x256xf32> -> vector<1024x256xf32>
    %swap3A_21 = arith.constant 0 : index
    %swap3A_22 = arith.constant 0 : index
    %swap3A_23 = vector.load %arg7[%swap3A_21, %swap3A_22] : memref<1024x256xf32, #tpu.memory_space<vmem>>, vector<1024x256xf32>
    tpu.vector_store %arg7[%swap3A_21, %swap3A_22], %dot_general3A_20 {strides = array<i32>} : memref<1024x256xf32, #tpu.memory_space<vmem>>, vector<1024x256xf32>,
    return
  }
  func.func @transform_0(%arg0: i32) -> (i32, i32) {
    %c0_i32 = arith.constant 0 : i32
    %c0_i32_0 = arith.constant 0 : i32
    return %arg0, %c0_i32 : i32, i32
  }
  func.func @transform_1(%arg0: i32) -> (i32, i32) {
    %c0_i32 = arith.constant 0 : i32
    %c0_i32_0 = arith.constant 0 : i32
    %c0_i32_1 = arith.constant 0 : i32
    return %c0_i32, %c0_i32_0 : i32, i32
  }
  func.func @transform_2(%arg0: i32) -> (i32, i32) {
    %c0_i32 = arith.constant 0 : i32
    %c0_i32_0 = arith.constant 0 : i32
    %c0_i32_1 = arith.constant 0 : i32
    return %c0_i32, %c0_i32_0 : i32, i32
  }
  func.func @transform_3(%arg0: i32) -> (i32, i32) {
    %c0_i32 = arith.constant 0 : i32
    %c0_i32_0 = arith.constant 0 : i32
    %c0_i32_1 = arith.constant 0 : i32
    return %c0_i32, %c0_i32_0 : i32, i32
  }
  func.func @transform_4(%arg0: i32) -> (i32, i32) {
    %c0_i32 = arith.constant 0 : i32
    %c0_i32_0 = arith.constant 0 : i32
    return %arg0, %c0_i32 : i32, i32
  }
  func.func @transform_5(%arg0: i32) -> (i32, i32) {
    %c0_i32 = arith.constant 0 : i32
    %c0_i32_0 = arith.constant 0 : i32
    return %arg0, %c0_i32 : i32, i32
  }
  func.func @transform_6(%arg0: i32) -> (i32, i32) {
    %c0_i32 = arith.constant 0 : i32
    %c0_i32_0 = arith.constant 0 : i32
    return %arg0, %c0_i32 : i32, i32
  }
}

module attributes {stable_mosaic.version = 14 : i64} {
  func.func @_score_body(%arg0: i32, %arg1: memref<2048x256xf32, #tpu.memory_space<vmem>>, %arg2: memref<2048x256xf32, #tpu.memory_space<vmem>>, %arg3: memref<2048x4xf32, #tpu.memory_space<vmem>>, %arg4: memref<2048x4xf32, #tpu.memory_space<vmem>>) attributes {dimension_semantics = [#tpu.dimension_semantics<arbitrary>], iteration_bounds = array<i64: 79>, scalar_prefetch = 0 : i64, scratch_operands = 0 : i64, tpu.core_type = #tpu.core_type<tc>, window_params = [{transform_indices = @transform_0, window_bounds = array<i64: 2048, 256>}, {transform_indices = @transform_1, window_bounds = array<i64: 2048, 256>}, {transform_indices = @transform_2, window_bounds = array<i64: 2048, 4>}, {transform_indices = @transform_3, window_bounds = array<i64: 2048, 4>}]} {
    %get3A = arith.constant 0 : index
    %get3A_0 = arith.constant 0 : index
    %get3A_1 = vector.load %arg1[%get3A, %get3A_0] : memref<2048x256xf32, #tpu.memory_space<vmem>>, vector<2048x256xf32>
    %get3A_2 = arith.constant 0 : index
    %get3A_3 = arith.constant 0 : index
    %get3A_4 = vector.load %arg2[%get3A_2, %get3A_3] : memref<2048x256xf32, #tpu.memory_space<vmem>>, vector<2048x256xf32>
    %mul3A = arith.mulf %get3A_1, %get3A_4 : vector<2048x256xf32>
    %slice3A = vector.extract_strided_slice %mul3A {offsets = [0, 0], sizes = [2048, 64], strides = [1, 1]} : vector<2048x256xf32> to vector<2048x64xf32>
    %reduce_sum3A = arith.constant dense<0.000000e+00> : vector<2048xf32>
    %reduce_sum3A_5 = vector.multi_reduction <add>, %slice3A, %reduce_sum3A [1] : vector<2048x64xf32> to vector<2048xf32>
    %broadcast_in_dim3A = vector.shape_cast %reduce_sum3A_5 : vector<2048xf32> to vector<2048x1xf32>
    %slice3A_6 = vector.extract_strided_slice %mul3A {offsets = [0, 64], sizes = [2048, 64], strides = [1, 1]} : vector<2048x256xf32> to vector<2048x64xf32>
    %reduce_sum3A_7 = arith.constant dense<0.000000e+00> : vector<2048xf32>
    %reduce_sum3A_8 = vector.multi_reduction <add>, %slice3A_6, %reduce_sum3A_7 [1] : vector<2048x64xf32> to vector<2048xf32>
    %broadcast_in_dim3A_9 = vector.shape_cast %reduce_sum3A_8 : vector<2048xf32> to vector<2048x1xf32>
    %slice3A_10 = vector.extract_strided_slice %mul3A {offsets = [0, 128], sizes = [2048, 64], strides = [1, 1]} : vector<2048x256xf32> to vector<2048x64xf32>
    %reduce_sum3A_11 = arith.constant dense<0.000000e+00> : vector<2048xf32>
    %reduce_sum3A_12 = vector.multi_reduction <add>, %slice3A_10, %reduce_sum3A_11 [1] : vector<2048x64xf32> to vector<2048xf32>
    %broadcast_in_dim3A_13 = vector.shape_cast %reduce_sum3A_12 : vector<2048xf32> to vector<2048x1xf32>
    %slice3A_14 = vector.extract_strided_slice %mul3A {offsets = [0, 192], sizes = [2048, 64], strides = [1, 1]} : vector<2048x256xf32> to vector<2048x64xf32>
    %reduce_sum3A_15 = arith.constant dense<0.000000e+00> : vector<2048xf32>
    %reduce_sum3A_16 = vector.multi_reduction <add>, %slice3A_14, %reduce_sum3A_15 [1] : vector<2048x64xf32> to vector<2048xf32>
    %broadcast_in_dim3A_17 = vector.shape_cast %reduce_sum3A_16 : vector<2048xf32> to vector<2048x1xf32>
    %concatenate3A = tpu.concatenate %broadcast_in_dim3A, %broadcast_in_dim3A_9, %broadcast_in_dim3A_13, %broadcast_in_dim3A_17 in 1 : vector<2048x1xf32>, vector<2048x1xf32>, vector<2048x1xf32>, vector<2048x1xf32> -> vector<2048x4xf32>
    %jit3A = arith.constant -1.000000e+01 : f32
    %jit3A_18 = arith.constant 1.000000e+01 : f32
    %max3A = vector.broadcast %jit3A : f32 to vector<2048x4xf32>
    %max3A_19 = arith.maximumf %max3A, %concatenate3A : vector<2048x4xf32>
    %min3A = vector.broadcast %jit3A_18 : f32 to vector<2048x4xf32>
    %min3A_20 = arith.minimumf %min3A, %max3A_19 : vector<2048x4xf32>
    %get3A_21 = arith.constant 0 : index
    %get3A_22 = arith.constant 0 : index
    %get3A_23 = vector.load %arg3[%get3A_21, %get3A_22] : memref<2048x4xf32, #tpu.memory_space<vmem>>, vector<2048x4xf32>
    %add3A = arith.addf %min3A_20, %get3A_23 : vector<2048x4xf32>
    %exp3A = math.exp %add3A : vector<2048x4xf32>
    %swap3A = arith.constant 0 : index
    %swap3A_24 = arith.constant 0 : index
    %swap3A_25 = vector.load %arg4[%swap3A, %swap3A_24] : memref<2048x4xf32, #tpu.memory_space<vmem>>, vector<2048x4xf32>
    tpu.vector_store %arg4[%swap3A, %swap3A_24], %exp3A {strides = array<i32>} : memref<2048x4xf32, #tpu.memory_space<vmem>>, vector<2048x4xf32>,
    return
  }
  func.func @transform_0(%arg0: i32) -> (i32, i32) {
    %c0_i32 = arith.constant 0 : i32
    %c0_i32_0 = arith.constant 0 : i32
    return %arg0, %c0_i32 : i32, i32
  }
  func.func @transform_1(%arg0: i32) -> (i32, i32) {
    %c0_i32 = arith.constant 0 : i32
    %c0_i32_0 = arith.constant 0 : i32
    return %arg0, %c0_i32 : i32, i32
  }
  func.func @transform_2(%arg0: i32) -> (i32, i32) {
    %c0_i32 = arith.constant 0 : i32
    %c0_i32_0 = arith.constant 0 : i32
    return %arg0, %c0_i32 : i32, i32
  }
  func.func @transform_3(%arg0: i32) -> (i32, i32) {
    %c0_i32 = arith.constant 0 : i32
    %c0_i32_0 = arith.constant 0 : i32
    return %arg0, %c0_i32 : i32, i32
  }
}

module attributes {stable_mosaic.version = 14 : i64} {
  func.func @_weight_body(%arg0: i32, %arg1: memref<2048x4xf32, #tpu.memory_space<vmem>>, %arg2: memref<2048x4xf32, #tpu.memory_space<vmem>>, %arg3: memref<2048x256xf32, #tpu.memory_space<vmem>>, %arg4: memref<2048x256xf32, #tpu.memory_space<vmem>>) attributes {dimension_semantics = [#tpu.dimension_semantics<arbitrary>], iteration_bounds = array<i64: 79>, scalar_prefetch = 0 : i64, scratch_operands = 0 : i64, tpu.core_type = #tpu.core_type<tc>, window_params = [{transform_indices = @transform_0, window_bounds = array<i64: 2048, 4>}, {transform_indices = @transform_1, window_bounds = array<i64: 2048, 4>}, {transform_indices = @transform_2, window_bounds = array<i64: 2048, 256>}, {transform_indices = @transform_3, window_bounds = array<i64: 2048, 256>}]} {
    %get3A = arith.constant 0 : index
    %get3A_0 = arith.constant 0 : index
    %get3A_1 = vector.load %arg1[%get3A, %get3A_0] : memref<2048x4xf32, #tpu.memory_space<vmem>>, vector<2048x4xf32>
    %get3A_2 = arith.constant 0 : index
    %get3A_3 = arith.constant 0 : index
    %get3A_4 = vector.load %arg2[%get3A_2, %get3A_3] : memref<2048x4xf32, #tpu.memory_space<vmem>>, vector<2048x4xf32>
    %add3A = arith.constant 9.99999993E-9 : f32
    %add3A_5 = vector.broadcast %add3A : f32 to vector<2048x4xf32>
    %add3A_6 = arith.addf %get3A_4, %add3A_5 : vector<2048x4xf32>
    %div3A = arith.divf %get3A_1, %add3A_6 : vector<2048x4xf32>
    %get3A_7 = arith.constant 0 : index
    %get3A_8 = arith.constant 0 : index
    %get3A_9 = vector.load %arg3[%get3A_7, %get3A_8] : memref<2048x256xf32, #tpu.memory_space<vmem>>, vector<2048x256xf32>
    %slice3A = vector.extract_strided_slice %div3A {offsets = [0, 0], sizes = [2048, 1], strides = [1, 1]} : vector<2048x4xf32> to vector<2048x1xf32>
    %slice3A_10 = vector.extract_strided_slice %get3A_9 {offsets = [0, 0], sizes = [2048, 64], strides = [1, 1]} : vector<2048x256xf32> to vector<2048x64xf32>
    %mul3A = vector.broadcast %slice3A : vector<2048x1xf32> to vector<2048x64xf32>
    %mul3A_11 = arith.mulf %mul3A, %slice3A_10 : vector<2048x64xf32>
    %slice3A_12 = vector.extract_strided_slice %div3A {offsets = [0, 1], sizes = [2048, 1], strides = [1, 1]} : vector<2048x4xf32> to vector<2048x1xf32>
    %slice3A_13 = vector.extract_strided_slice %get3A_9 {offsets = [0, 64], sizes = [2048, 64], strides = [1, 1]} : vector<2048x256xf32> to vector<2048x64xf32>
    %mul3A_14 = vector.broadcast %slice3A_12 : vector<2048x1xf32> to vector<2048x64xf32>
    %mul3A_15 = arith.mulf %mul3A_14, %slice3A_13 : vector<2048x64xf32>
    %slice3A_16 = vector.extract_strided_slice %div3A {offsets = [0, 2], sizes = [2048, 1], strides = [1, 1]} : vector<2048x4xf32> to vector<2048x1xf32>
    %slice3A_17 = vector.extract_strided_slice %get3A_9 {offsets = [0, 128], sizes = [2048, 64], strides = [1, 1]} : vector<2048x256xf32> to vector<2048x64xf32>
    %mul3A_18 = vector.broadcast %slice3A_16 : vector<2048x1xf32> to vector<2048x64xf32>
    %mul3A_19 = arith.mulf %mul3A_18, %slice3A_17 : vector<2048x64xf32>
    %slice3A_20 = vector.extract_strided_slice %div3A {offsets = [0, 3], sizes = [2048, 1], strides = [1, 1]} : vector<2048x4xf32> to vector<2048x1xf32>
    %slice3A_21 = vector.extract_strided_slice %get3A_9 {offsets = [0, 192], sizes = [2048, 64], strides = [1, 1]} : vector<2048x256xf32> to vector<2048x64xf32>
    %mul3A_22 = vector.broadcast %slice3A_20 : vector<2048x1xf32> to vector<2048x64xf32>
    %mul3A_23 = arith.mulf %mul3A_22, %slice3A_21 : vector<2048x64xf32>
    %concatenate3A = tpu.concatenate %mul3A_11, %mul3A_15, %mul3A_19, %mul3A_23 in 1 : vector<2048x64xf32>, vector<2048x64xf32>, vector<2048x64xf32>, vector<2048x64xf32> -> vector<2048x256xf32>
    %swap3A = arith.constant 0 : index
    %swap3A_24 = arith.constant 0 : index
    %swap3A_25 = vector.load %arg4[%swap3A, %swap3A_24] : memref<2048x256xf32, #tpu.memory_space<vmem>>, vector<2048x256xf32>
    tpu.vector_store %arg4[%swap3A, %swap3A_24], %concatenate3A {strides = array<i32>} : memref<2048x256xf32, #tpu.memory_space<vmem>>, vector<2048x256xf32>,
    return
  }
  func.func @transform_0(%arg0: i32) -> (i32, i32) {
    %c0_i32 = arith.constant 0 : i32
    %c0_i32_0 = arith.constant 0 : i32
    return %arg0, %c0_i32 : i32, i32
  }
  func.func @transform_1(%arg0: i32) -> (i32, i32) {
    %c0_i32 = arith.constant 0 : i32
    %c0_i32_0 = arith.constant 0 : i32
    return %arg0, %c0_i32 : i32, i32
  }
  func.func @transform_2(%arg0: i32) -> (i32, i32) {
    %c0_i32 = arith.constant 0 : i32
    %c0_i32_0 = arith.constant 0 : i32
    return %arg0, %c0_i32 : i32, i32
  }
  func.func @transform_3(%arg0: i32) -> (i32, i32) {
    %c0_i32 = arith.constant 0 : i32
    %c0_i32_0 = arith.constant 0 : i32
    return %arg0, %c0_i32 : i32, i32
  }
}

</mosaic_0001>

<sc_bundles>
// kernel: scatter_offload_async_start.1
scs
__scs_entry_jumppad:
0x0: {  	(pc) =	sbr.rel $0x88, $3  }
0x1: {  	(tag) =	ssettag $0x0;
	lr =	simm.s32 $0x1  }
0x2: {  	[smem:$0x3F9B] =	sst lr;
	_ =	strace $0xD0000000  }
0x3: {  	_ = 	snop  }
0x4: {  	_ = 	snop  }
0x5: {  	_ = 	snop  }
0x6: {  	_ = 	snop  }
0x7: {  	_ = 	snop  }
__scs_overlays_trampoline_lowered:
0x8: {  	[smem:$0x3FAA] =	sst s0  }
0x9: {  	[smem:$0x3FAB] =	sst s1  }
0xa: {  	[smem:$0x3FAC] =	sst s2  }
0xb: {  	[smem:$0x3FAD] =	sst s3  }
0xc: {  	[smem:$0x3FAE] =	sst s4  }
0xd: {  	[smem:$0x3FAF] =	sst s5  }
0xe: {  	[smem:$0x3FB0] =	sst s6  }
0xf: {  	[smem:$0x3FB1] =	sst s7  }
0x10: {  	[smem:$0x3FB2] =	sst s8  }
0x11: {  	[smem:$0x3FB3] =	sst s9;
	s0 =	simm.s32 @!p0 $0x0  }
0x12: {  	s1 =	sld [smem:$0x3F99];
	s0 =	simm.s32 @p0 $0x1  }
0x13: {  	[smem:$0x3FB4] =	sst s0;
	s0 =	simm.s32 @!p1 $0x0  }
0x14: {  	s2 =	sld [smem:$0x3F98];
	s0 =	simm.s32 @p1 $0x1  }
0x15: {  	[smem:$0x3FB5] =	sst s0;
	s0 =	simm.s32 @!p2 $0x0  }
0x16: {  	s3 =	sld [smem:$0x3FDB];
	s0 =	simm.s32 @p2 $0x1  }
0x17: {  	s4 =	simm.s32 $0x1BF5;
	[smem:$0x3FB7] =	sst s0  }
0x18: {  	s0 =	sld [smem:$0x3F9A];
	_ =	swait.ge [sflag:s4], $0x0  }
0x19: {  	s7 =	sld [smem:$0x3F9B]  }
0x1a: {  	s8 =	sadd.s32 $0xFFFFE003, lr  }
0x1b: {  	s9 =	sadd.s32 $0xFFFFFEF7, lr;
	s5 =	simm.s32 $0xFFFFFFFF;
	p2 =	slt.u32 s8, $0xFFFFF086  }
0x1c: {  	p1 =	slt.u32 s9, $0xF7A;
	s5 =	simm.s32 @!p2 $0x0  }
0x1d: {  	s5 =	simm.s32 @p1 $0x1;
	p0 =	seq.s32 s7, s2  }
0x1e: {  	s7 =	smul.u32 @!p0 $0xF7A, s2;
	p2 =	seq.s32 @!p0 s5, $0x0  }
0x1f: {  	s9 =	smul.u32 $0xF7A, s1;
	s8 =	simm.s32 @!p0 $0x1BF5;
	p2 =	por !p2, p0  }
0x20: {  	[sflag:s8] =	ssyncset.s32 @!p0 $0xFFFFF086;
	s6 =	sadd.s32 @!p0 s3, s7;
	s7 =	simm.s32 @!p0 $0x108  }
0x21: {  	s3 =	sadd.s32 s3, s9;
	s6 =	sadd.s32 @!p0 $0x88, s6;
	s7 =	simm.s32 @p2 $0x1082  }
0x22: {  	[simem:s7], [sflag:s8] =	dma.local @!p0 [hbm:s6], $0xF7A  }
0x23: {  	s9 =	sor.u32 $0xD0000000, s2;
	s6 =	simm.s32 $0x108;
	_ =	swait.ge @!p0 [sflag:s8], $0x0  }
0x24: {  	s3 =	sadd.s32 $0x88, s3;
	s6 =	simm.s32 @!p1 $0x1082;
	[sflag:s4] =	ssyncset.s32 $0xFFFFF086  }
0x25: {  	[simem:s6], [sflag:s4] =	dma.local [hbm:s3], $0xF7A  }
0x26: {  	[smem:$0x3F9B] =	sst s1;
	(tag) =	ssettag s2;
	_ =	strace s9  }
0x27: {  	s1 =	sld [smem:$0x3FAB]  }
0x28: {  	s2 =	sld [smem:$0x3FAC]  }
0x29: {  	s4 =	sld [smem:$0x3FAE]  }
0x2a: {  	p0 =	seq.s32 s5, $0x0;
	s5 =	sld [smem:$0x3FAF]  }
0x2b: {  	s6 =	sld [smem:$0x3FB0]  }
0x2c: {  	s7 =	sld [smem:$0x3FB1]  }
0x2d: {  	s3 =	simm.s32 $0x108;
	s8 =	sld [smem:$0x3FB2]  }
0x2e: {  	s3 =	simm.s32 @!p0 $0x1082;
	s9 =	sld [smem:$0x3FB3]  }
0x2f: {  	lr =	sadd.s32 s0, s3;
	s0 =	sld [smem:$0x3FAA]  }
0x30: {  	s3 =	sld [smem:$0x3FAD]  }
0x31: {  	[smem:$0x3FB6] =	sst s10  }
0x32: {  	s10 =	sld [smem:$0x3FB4];
	_ =	sdelay $0x3  }
0x33: {  	p0 =	seq.s32 s10, $0x1;
	s10 =	sld [smem:$0x3FB6];
	_ =	sdelay $0x3  }
0x34: {  	[smem:$0x3FB6] =	sst s10  }
0x35: {  	s10 =	sld [smem:$0x3FB5];
	_ =	sdelay $0x3  }
0x36: {  	p1 =	seq.s32 s10, $0x1;
	s10 =	sld [smem:$0x3FB6];
	_ =	sdelay $0x3  }
0x37: {  	[smem:$0x3FB6] =	sst s10  }
0x38: {  	s10 =	sld [smem:$0x3FB7]  }
0x39: {  	_ = 	snop;
	(pc) =	sbr.ind lr, $3  }
0x3a: {  	_ = 	snop  }
0x3b: {  	_ = 	snop  }
0x3c: {  	p2 =	seq.s32 s10, $0x1;
	s10 =	sld [smem:$0x3FB6]  }
0x3d: {  	_ =	shalt  }
0x3e: {  	_ =	shalt  }
0x3f: {  	_ =	shalt  }
0x40: {  	_ =	shalt  }
0x41: {  	_ =	shalt  }
0x42: {  	_ =	shalt  }
0x43: {  	_ =	shalt  }
0x44: {  	_ =	shalt  }
0x45: {  	_ =	shalt  }
0x46: {  	_ =	shalt  }
0x47: {  	_ =	shalt  }
0x48: {  	_ =	shalt  }
0x49: {  	_ =	shalt  }
0x4a: {  	_ =	shalt  }
0x4b: {  	_ =	shalt  }
0x4c: {  	_ =	shalt  }
0x4d: {  	_ =	shalt  }
0x4e: {  	_ =	shalt  }
0x4f: {  	_ =	shalt  }
0x50: {  	_ =	shalt  }
0x51: {  	_ =	shalt  }
0x52: {  	_ =	shalt  }
0x53: {  	_ =	shalt  }
0x54: {  	_ =	shalt  }
0x55: {  	_ =	shalt  }
0x56: {  	_ =	shalt  }
0x57: {  	_ =	shalt  }
0x58: {  	_ =	shalt  }
0x59: {  	_ =	shalt  }
0x5a: {  	_ =	shalt  }
0x5b: {  	_ =	shalt  }
0x5c: {  	_ =	shalt  }
0x5d: {  	_ =	shalt  }
0x5e: {  	_ =	shalt  }
0x5f: {  	_ =	shalt  }
0x60: {  	_ =	shalt  }
0x61: {  	_ =	shalt  }
0x62: {  	_ =	shalt  }
0x63: {  	_ =	shalt  }
0x64: {  	_ =	shalt  }
0x65: {  	_ =	shalt  }
0x66: {  	_ =	shalt  }
0x67: {  	_ =	shalt  }
0x68: {  	_ =	shalt  }
0x69: {  	_ =	shalt  }
0x6a: {  	_ =	shalt  }
0x6b: {  	_ =	shalt  }
0x6c: {  	_ =	shalt  }
0x6d: {  	_ =	shalt  }
0x6e: {  	_ =	shalt  }
0x6f: {  	_ =	shalt  }
0x70: {  	_ =	shalt  }
0x71: {  	_ =	shalt  }
0x72: {  	_ =	shalt  }
0x73: {  	_ =	shalt  }
0x74: {  	_ =	shalt  }
0x75: {  	_ =	shalt  }
0x76: {  	_ =	shalt  }
0x77: {  	_ =	shalt  }
0x78: {  	_ =	shalt  }
0x79: {  	_ =	shalt  }
0x7a: {  	_ =	shalt  }
0x7b: {  	_ =	shalt  }
0x7c: {  	_ =	shalt  }
0x7d: {  	_ =	shalt  }
0x7e: {  	_ =	shalt  }
0x7f: {  	_ =	shalt  }
0x80: {  	_ =	shalt  }
0x81: {  	_ =	shalt  }
0x82: {  	_ =	shalt  }
0x83: {  	_ =	shalt  }
0x84: {  	_ =	shalt  }
0x85: {  	_ =	shalt  }
0x86: {  	_ =	shalt  }
0x87: {  	_ =	shalt  }
.Lfunc_end0:
.L_simem_size_0:
called_computation.1_lowered:
.L_overlay_start_0:
0x88: {  	s2 =	sld [smem:$0x3FD9]  }
0x89: {  	s3 =	sld [smem:$0x3FFE];
	_ =	sdelay $0x1  }
0x8a: {  	s1 =	srdreg.scid  }
0x8b: {  	s0 =	sand.u32 $0x1, s1  }
0x8c: {  	s16 =	sshll.u32 s0, $0xA;
	s2 =	sadd.s32 s3, s2  }
0x8d: {  	s2 =	sadd.s32 s2, s16  }
0x8e: {  	[smem:$0x3FC2] =	sst s2  }
0x8f: {  	_ = 	snop  }
0x90: {  	s2 =	sld [smem:$0x3FD0];
	(tm) =	ssettm $0x1  }
0x91: {  	s17 =	sld [smem:$0x3FFB];
	_ =	sdelay $0x3  }
0x92: {  	_ =	strace s17  }
0x93: {  	s3 =	sld [smem:$0x3FFC];
	_ =	sdelay $0x3  }
0x94: {  	_ =	strace s3  }
0x95: {  	s3 =	sld [smem:$0x3FFD];
	_ =	sdelay $0x3  }
0x96: {  	_ =	strace s3  }
0x97: {  	_ =	strace $0x8FFFFFFF  }
0x98: {  	s18 =	sld [smem:$0x3FDB];
	_ =	sdelay $0x1  }
0x99: {  	s4 =	simm.s32 $_scs_section_size  }
0x9a: {  	s5 =	simm.s32 $_size__tile_overlayer_lowered;
	s6 =	simm.s32 $_tile_overlayer_lowered  }
0x9b: {  	s21 =	simm.s32 $0x1BFF;
	s20 =	sshll.u32 s6, $0x1;
	s3 =	sadd.s32 s4, s18  }
0x9c: {  	s7 =	simm.s32 $0x0;
	s19 =	sshll.u32 s5, $0x1;
	s5 =	sadd.s32 s20, s3  }
0x9d: {  	[timem:s7], [sflag:s21] =	dma.local [hbm:s5], s19  }
0x9e: {  	_ =	swait.ge [sflag:s21], s19  }
0x9f: {  	s4 =	ssub.s32 $0x0, s19;
	[sflag:s21] =	ssyncset.done $0x0  }
0xa0: {  	[sflag:s21] =	ssyncadd.s32 s4;
	_ =	sdelay $0x1  }
0xa1: {  	s22 =	simm.s32 $0x1B8B  }
0xa2: {  	_ =	swait.ge [sflag:s22], $0x1  }
0xa3: {  	[sflag:s22] =	ssyncset.done $0x0  }
0xa4: {  	s23 =	sld [smem:$0x3FFE];
	[sflag:s22] =	ssyncadd.s32 $0xFFFFFFFF  }
0xa5: {  	s25 =	simm.s32 $0x1B8E;
	s24 =	sld [smem:$0x0]  }
0xa6: {  	s26 =	simm.s32 $execute0_lowered;
	[smem:$0x3FD2] =	sst s25  }
0xa7: {  	s6 =	sshll.u32 s26, $0x1;
	_ =	strace $0x80000049;
	[dreg:$0x1] =	wrdreg $0xFFFFFFFF  }
0xa8: {  	s28 =	simm.s32 $_size_execute0_lowered;
	s3 =	sadd.s32 s3, s6;
	[dreg:$0x0] =	wrdreg $0x0  }
0xa9: {  	s6 =	sshll.u32 s28, $0x1;
	[dreg:$0x2] =	wrdreg s3  }
0xaa: {  	[dreg:$0x3] =	wrdreg s6  }
0xab: {  	[dreg:$0x4] =	wrdreg $0xC0  }
0xac: {  	_ =	task [dreg:s7], $0x5FFFF  }
0xad: {  	[dreg:$0x1] =	wrdreg $0xFFFFFFFF  }
0xae: {  	[dreg:$0x0] =	wrdreg $0x60  }
0xaf: {  	[dreg:$0x2] =	wrdreg s2  }
0xb0: {  	[dreg:$0x3] =	wrdreg s23  }
0xb1: {  	[dreg:$0x4] =	wrdreg s1  }
0xb2: {  	[dreg:$0x5] =	wrdreg s24  }
0xb3: {  	[dreg:$0x6] =	wrdreg $0x9  }
0xb4: {  	_ =	task.clear_ibuf [dreg:s7], $0x7FFFF;
	_ =	strace $0x90000049  }
0xb5: {  	s29 =	simm.s32 $0x9;
	_ =	strace $0x8000004B  }
0xb6: {  	_ =	swait.ge [sflag:s29], $0x1  }
0xb7: {  	[sflag:s29] =	ssyncadd.s32 $0xFFFFFFFF  }
0xb8: {  	_ =	strace $0x9000004B  }
0xb9: {  	_ =	sfence  }
0xba: {  	s30 =	sld [smem:$0x0];
	_ =	sdelay $0x2  }
0xbb: {  	s31 =	sshll.u32 s1, $0xD;
	s1 =	sshrl.u32 s1, $0x2  }
0xbc: {  	s3 =	sand.u32 $0x4000, s31;
	s1 =	sadd.s32 s1, s30  }
0xbd: {  	s0 =	sor.u32 s3, s0;
	s1 =	sshll.u32 s1, $0x11  }
0xbe: {  	s0 =	sor.u32 s1, s0  }
0xbf: {  	s0 =	sadd.s32 $0x8F2B, s0  }
0xc0: {  	[sflag:s0] =	ssyncadd.remote.s32 $0x1  }
0xc1: {  	_ =	sfence.sel $0xFFFF  }
0xc2: {  	[dreg:$0x0] =	wrdreg $0xFFFFFFFF;
	(pc) =	sbr.abs _section_cstart, $3  }
0xc3: {  	[dreg:$0x1] =	wrdreg $0xFFFFFFFF  }
0xc4: {  	_ =	task.clear_ibuf [dreg:s7], $0x2FFFF;
	_ =	strace $0x9FFFFFFF  }
0xc5: {  	(tm) =	ssettm $0x7FFFFFFF  }
tec
execute0_lowered:
.L_overlay_start_1:
0x0: {  	(tag) =	ssettag $0x1  }
0x1: {  	s1 =	rddreg [dreg:$0x0]  }
0x2: {  	s0 =	rddreg [dreg:$0x1]  }
0x3: {  	s3 =	rddreg [dreg:$0x2];
	_ =	strace $0x8000004A;
	s2 =	simm.s32 $0x1  }
0x4: {  	s5 =	simm.s32 $0x208;
	v0 =	vimm.s32 $0x0;
	[sflag:s2] =	ssyncpa.u1 $0x0  }
0x5: {  	[tilespmem:s5+$0x70] =	vst v0  }
0x6: {  	[tilespmem:s5+$0x60] =	vst v0  }
0x7: {  	[tilespmem:s5+$0x50] =	vst v0  }
0x8: {  	[tilespmem:s5+$0x40] =	vst v0  }
0x9: {  	[tilespmem:s5+$0x30] =	vst v0  }
0xa: {  	s6 =	sadd.s32 $0x7B0400, s0;
	[tilespmem:s5+$0x20] =	vst v0  }
0xb: {  	s4 =	sadd.s32 $0x5000, s0;
	s10 =	sand.u32 $0x1, s3;
	s2 =	simm.s32 $0x40;
	[tilespmem:s5+$0x10] =	vst v0  }
.LBB2_1:
0xc: {  	s2 =	sadd.s32 $0x40, s2;
	[tilespmem:s5+$0x0] =	vst v0;
	s5 =	sadd.s32 $0x80, s5  }
0xd: {  	p0 =	slt.u32 s2, $0x3880;
	[tilespmem:s5+$0x70] =	vst v0  }
0xe: {  	[tilespmem:s5+$0x60] =	vst v0  }
.Ltmp0:
0xf: {  	[tilespmem:s5+$0x50] =	vst v0;
	(pc) =	sbr.rel @p0 .LBB2_1-.Ltmp0, $4  }
0x10: {  	[tilespmem:s5+$0x40] =	vst v0  }
0x11: {  	[tilespmem:s5+$0x30] =	vst v0  }
0x12: {  	[tilespmem:s5+$0x20] =	vst v0  }
0x13: {  	[tilespmem:s5+$0x10] =	vst v0  }
0x14: {  	s11 =	stileid.u32  }
0x15: {  	s2 =	smul.u32 $0x2C, s11  }
0x16: {  	s3 =	smin.u32 s11, $0xB  }
0x17: {  	s2 =	sadd.s32 s3, s2  }
0x18: {  	p0 =	slt.u32 s11, $0xB;
	s20 =	smul.u32 $0x70, s2;
	s2 =	simm.s32 $0x13B0  }
0x19: {  	s2 =	simm.s32 @!p0 $0x1340  }
0x1a: {  	s2 =	sadd.s32 s2, s20  }
0x1b: {  	s8 =	smin.u32 s2, $0x13880  }
0x1c: {  	s26 =	simm.s32 $0x2;
	s2 =	ssub.s32 s8, s20  }
0x1d: {  	s9 =	simm.s32 $0x9;
	s29 =	simm.s32 $0xA;
	p0 =	sgt.s32 s2, $0x0  }
0x1e: {  	s30 =	simm.s32 $0xB;
	s31 =	smul.u32 $0x2710, s10;
	s2 =	simm.s32 @!p0 $0x0  }
0x1f: {  	[dreg:$0x5] =	wrdreg s10;
	s12 =	simm.s32 $0x1;
	s25 =	smulhi.u32 $0x92492493, s2  }
0x20: {  	s24 =	simm.s32 $0x0;
	p1 =	por $0x0, $0x0;
	s18 =	simm.s32 $0x80  }
0x21: {  	s19 =	simm.s32 $0x400;
	s17 =	simm.s32 $0xC;
	s3 =	sshrl.u32 s25, $0x6  }
0x22: {  	s21 =	simm.s32 $0x0;
	s23 =	simm.s32 $0x0;
	s28 =	smul.u32 $0x70, s3  }
.Ltmp1:
0x23: {  	[tilespmem:s5+$0x0] =	vst v0;
	v0 =	vimm.s32 $0xFFFFFFFF;
	[sflag:s26] =	ssyncpa.u1 $0x0;
	s16 =	sshll.u32 s11, $0x9;
	(pc) =	sbr.rel .LBB2_3-.Ltmp1, $4  }
0x24: {  	[tilespmem:$0xE408] =	vst v0;
	[sflag:s9] =	ssyncpa.u1 $0x0;
	p0 =	sne.s32 s2, s28;
	s2 =	simm.s32 $0x1  }
0x25: {  	s14 =	sadd.s32 s31, s4;
	[sflag:s29] =	ssyncpa.u1 $0x0;
	s2 =	simm.s32 @!p0 $0x0  }
0x26: {  	s15 =	sadd.s32 s31, s0;
	[sflag:s30] =	ssyncpa.u1 $0x0;
	s13 =	sadd.s32 s2, s3  }
0x27: {  	v0 =	vlaneseq.u32;
	s22 =	smov.u32 s20;
	p0 =	por $0x1, $0x1;
	s11 =	sadd.s32 $0x1, s13  }
.LBB2_24:
0x28: {  	s2 =	sshrl.u32 s4, $0x2  }
.LBB2_26:
0x29: {  	_ =	swait.ge [sflag:s17], s2  }
0x2a: {  	s31 =	ssub.s32 $0x0, s2;
	v1 =	vmov s26;
	vm0 =	veq.s32 v0, $0x0;
	[sflag:s17] =	ssyncset.done $0x0  }
0x2b: {  	vm15 =	veq.s32 v0, $0x2;
	v1 =	vsel vm0, s0, v1;
	[sflag:s17] =	ssyncadd.s32 s31  }
0x2c: {  	v1 =	vsel vm15, s24, v1;
	[sflag:s17] =	ssyncpa.u1 $0x1  }
0x2d: {  	[tilespmem:$0xE408] =	vst v1  }
.LBB2_27:
0x2e: {  	s0 =	sadd.s32 $0x70, s22  }
0x2f: {  	s2 =	smov.u32 s20;
	p2 =	slt.s32 s0, s8  }
0x30: {  	s2 =	smov.u32 @p2 s0;
	p2 =	sne.s32 s23, s11  }
.Ltmp2:
0x31: {  	_ = 	snop;
	(pc) =	sbr.rel @!p2 .LBB2_28-.Ltmp2, $4  }
0x32: {  	_ = 	snop  }
0x33: {  	s24 =	smov.u32 s21  }
0x34: {  	s31 =	sadd.s32 $0x1, s23;
	s21 =	smov.u32 s22;
	p0 =	por !p0, !p0  }
0x35: {  	p1 =	por !p1, !p1;
	s23 =	smov.u32 s31;
	s22 =	smov.u32 s2  }
.LBB2_3:
0x36: {  	p2 =	sge.u32 s23, s13  }
0x37: {  	s0 =	smulhi.u32 @!p2 $0xAAAAAAAB, s23  }
0x38: {  	s2 =	smov.u32 s22;
	p3 =	sgt.s32 @!p2 s22, $0x13810  }
0x39: {  	s3 =	sshra.s32 @!p2 s22, $0x1F;
	p3 =	por !p3, p2;
	s0 =	sshrl.u32 @!p2 s0, $0x1  }
0x3a: {  	s3 =	sand.u32 @!p2 s3, s22;
	s2 =	simm.s32 @p3 $0x13810;
	s0 =	smul.u32 @!p2 $0x3, s0  }
0x3b: {  	s2 =	ssub.s32 @!p2 s2, s3  }
0x3c: {  	s2 =	sadd.s32 @!p2 $0xFFFEC7F0, s2;
	s0 =	ssub.s32 @!p2 s23, s0  }
0x3d: {  	s3 =	sshll.u32 @!p2 s2, $0x2;
	p3 =	sgt.s32 @!p2 s2, $0x6F;
	s0 =	smul.u32 @!p2 $0x1C0, s0  }
0x3e: {  	s4 =	sand.u32 @!p2 $0x7, s22;
	s2 =	ssub.s32 @!p2 $0x1C0, s3;
	p3 =	por !p3, p2  }
0x3f: {  	s3 =	sshrl.u32 @!p2 s22, $0x3;
	s2 =	sshrl.u32 @!p2 s2, $0x2;
	s0 =	sshrl.u32 @!p2 s0, $0x2  }
0x40: {  	s3 =	sadd.s32 @!p2 s3, s14;
	s2 =	simm.s32 @!p3 $0x0;
	s0 =	sadd.s32 @!p2 $0x10448, s0  }
0x41: {  	[tilespmem:s0], [sflag:$0xA] =	stream.linear.gather @!p2 [hbm4b:s3+s4], s2, $0x38;
	[tilespmem:$0x1E678] =	vst v63  }
0x42: {  	s2 =	sadd.s32 $0xFFFFFFFF, s23  }
0x43: {  	p2 =	sge.u32 s2, s13  }
0x44: {  	p3 =	sgt.s32 @!p2 s21, $0x13810  }
0x45: {  	s0 =	smov.u32 s21;
	s3 =	sshra.s32 @!p2 s21, $0x1F;
	p3 =	por !p3, p2  }
0x46: {  	s3 =	sand.u32 @!p2 s3, s21;
	s0 =	simm.s32 @p3 $0x13810  }
0x47: {  	s0 =	ssub.s32 @!p2 s0, s3  }
0x48: {  	s0 =	sadd.s32 @!p2 $0xFFFEC7F0, s0  }
0x49: {  	s3 =	sshll.u32 @!p2 s0, $0x2  }
0x4a: {  	p3 =	sgt.s32 @!p2 s0, $0x6F;
	s0 =	ssub.s32 @!p2 $0x1C0, s3  }
0x4b: {  	p3 =	por !p3, p2;
	s0 =	sshrl.u32 @!p2 s0, $0x2  }
0x4c: {  	s4 =	simm.s32 @!p2 $0xA;
	s3 =	sand.u32 @!p2 $0x1, s2;
	s0 =	simm.s32 @!p3 $0x0  }
0x4d: {  	s3 =	smul.u32 @!p2 $0x1C0, s3;
	_ =	swait.ge @!p2 [sflag:s4], s0  }
0x4e: {  	s5 =	ssub.s32 @!p2 $0x0, s0;
	[sflag:s4] =	ssyncset.done @!p2 $0x0  }
0x4f: {  	s3 =	sshrl.u32 @!p2 s3, $0x2;
	[sflag:s4] =	ssyncadd.s32 @!p2 s5;
	s4 =	sshrl.u32 @!p2 s21, $0x3  }
0x50: {  	s3 =	sadd.s32 @!p2 $0x10598, s3;
	s5 =	sand.u32 @!p2 $0x7, s21;
	s4 =	sadd.s32 @!p2 s4, s15  }
0x51: {  	[tilespmem:s3], [sflag:$0xB] =	stream.linear.gather @!p2 [hbm4b:s4+s5], s0, $0x38;
	[tilespmem:$0x1E678] =	vst v63  }
0x52: {  	s0 =	ssub.s32 @!p2 $0x13880, s21  }
0x53: {  	p3 =	slt.s32 @!p2 s0, $0x1  }
0x54: {  	p3 =	por p2, p3  }
.Ltmp3:
0x55: {  	_ = 	snop;
	(pc) =	sbr.rel @p3 .LBB2_9-.Ltmp3, $1  }
0x56: {  	_ =	sdelay $0x3  }
0x57: {  	s3 =	smulhi.u32 $0xAAAAAAAB, s2;
	_ =	sdelay $0x1  }
0x58: {  	s3 =	sshrl.u32 s3, $0x1  }
0x59: {  	s3 =	smul.u32 $0x3, s3;
	_ =	sdelay $0x1  }
0x5a: {  	s30 =	ssub.s32 s2, s3  }
0x5b: {  	s4 =	simm.s32 $0x1;
	s2 =	smul.u32 $0x1C0, s30  }
.Ltmp4:
0x5c: {  	s4 =	simm.s32 @!p0 $0x0;
	(pc) =	sbr.rel .LBB2_6-.Ltmp4, $4  }
0x5d: {  	s31 =	smul.u32 $0x1C000, s4  }
0x5e: {  	p3 =	slt.s32 @!p2 s0, $0x70;
	s2 =	sshrl.u32 s2, $0x2  }
0x5f: {  	p2 =	por !p3, p2;
	s3 =	sshrl.u32 s31, $0x2;
	s5 =	sadd.s32 $0x10448, s2  }
0x60: {  	s0 =	simm.s32 @p2 $0x70;
	s4 =	sor.u32 $0x10678, s3;
	s2 =	simm.s32 $0x0;
	v1 =	vmov s5  }
.LBB2_5:
0x61: {  	p2 =	sge.s32 s2, s0  }
.Ltmp5:
0x62: {  	_ = 	snop;
	(pc) =	sbr.rel @p2 .LBB2_9-.Ltmp5, $2  }
0x63: {  	_ =	sdelay $0x2  }
0x64: {  	s4 =	sadd.s32 $0x1000, s4  }
.LBB2_6:
0x65: {  	p2 =	sle.s32 s0, s2  }
.Ltmp6:
0x66: {  	_ = 	snop;
	(pc) =	sbr.rel @p2 .LBB2_5-.Ltmp6, $2  }
0x67: {  	_ =	sdelay $0x2  }
0x68: {  	s5 =	smov.u32 s2;
	s2 =	sadd.s32 $0x10, s2  }
0x69: {  	s3 =	ssub.s32 s0, s5  }
0x6a: {  	p2 =	slt.s32 s3, $0x10  }
0x6b: {  	s3 =	simm.s32 @!p2 $0x10  }
0x6c: {  	v2 =	vmov s3  }
0x6d: {  	vm0 =	vgt.s32 v2, v0;
	_ =	sdelay $0x5  }
0x6e: {  	v2 =	vld.idx.msk [tilespmem:v1+s5+$0x0 ss:$0x1], vm0;
	_ =	sdelay $0x2  }
0x6f: {  	p2 =	slt.s32 s2, s0;
	s3 =	smov.u32 s0  }
0x70: {  	s9 =	smov.u32 s4;
	s25 =	simm.s32 $0x0;
	s3 =	smov.u32 @p2 s2  }
.LBB2_8:
0x71: {  	(v2sf) =	vpush v2, s25;
	_ =	sdelay $0xe  }
0x72: {  	s25 =	sadd.s32 $0x1, s25;
	s10 =	spop (v2sf)  }
0x73: {  	s31 =	sadd.s32 s25, s5;
	s26 =	sshll.u32 s10, $0x8;
	s10 =	sshll.u32 s10, $0x7  }
0x74: {  	p2 =	slt.s32 s31, s3;
	s26 =	sand.u32 $0xFFFFF800, s26;
	s10 =	sand.u32 $0x380, s10  }
.Ltmp7:
0x75: {  	s10 =	sor.u32 s10, s26;
	(pc) =	sbr.rel @p2 .LBB2_8-.Ltmp7, $4  }
0x76: {  	s10 =	sshrl.u32 s10, $0x3  }
0x77: {  	s10 =	sadd.s32 s6, s10  }
0x78: {  	[tilespmem:s9], [sflag:$0x9] =	stream.strided.gather [hbm4b:s10+s18], $0x100, s19, s18, $0x38;
	[tilespmem:$0x1E678] =	vst v63  }
0x79: {  	s9 =	sadd.s32 $0x100, s9  }
.Ltmp8:
0x7a: {  	_ = 	snop;
	(pc) =	sbr.rel .LBB2_5-.Ltmp8, $1  }
0x7b: {  	_ =	sdelay $0x3  }
.LBB2_9:
0x7c: {  	p2 =	slt.u32 s23, $0x2  }
.Ltmp9:
0x7d: {  	_ = 	snop;
	(pc) =	sbr.rel @p2 .LBB2_27-.Ltmp9, $1  }
0x7e: {  	_ =	sdelay $0x3  }
0x7f: {  	p2 =	sgt.s32 s24, $0x13810  }
0x80: {  	s0 =	smov.u32 s24;
	s2 =	sshra.s32 s24, $0x1F;
	s3 =	ssub.s32 $0x13880, s24  }
0x81: {  	s0 =	simm.s32 @!p2 $0x13810;
	s2 =	sand.u32 s2, s24;
	p2 =	slt.s32 s3, $0x70  }
0x82: {  	s0 =	ssub.s32 s0, s2;
	s3 =	simm.s32 @!p2 $0x70  }
0x83: {  	s0 =	sadd.s32 $0xFFFEC7F0, s0;
	s9 =	sshll.u32 s3, $0x8  }
0x84: {  	s26 =	simm.s32 $0x9;
	s10 =	sshll.u32 s0, $0x2;
	s2 =	sand.u32 $0x3FFFFF00, s9  }
0x85: {  	p2 =	sgt.s32 s0, $0x6F;
	s25 =	ssub.s32 $0x1C0, s10;
	_ =	swait.ge [sflag:s26], s2  }
0x86: {  	s2 =	ssub.s32 $0x0, s2;
	[sflag:s26] =	ssyncset.done $0x0;
	s0 =	sshrl.u32 s25, $0x2  }
0x87: {  	s29 =	simm.s32 $0xB;
	[sflag:s26] =	ssyncadd.s32 s2;
	s0 =	simm.s32 @p2 $0x0  }
0x88: {  	_ =	swait.ge [sflag:s29], s0  }
0x89: {  	s0 =	ssub.s32 $0x0, s0;
	[sflag:s29] =	ssyncset.done $0x0  }
0x8a: {  	[sflag:s29] =	ssyncadd.s32 s0  }
0x8b: {  	v1 =	vld [tilespmem:$0xE408];
	_ =	sdelay $0x4  }
0x8c: {  	(v2sf) =	vpush v1, $0x0  }
0x8d: {  	(v2sf) =	vpush v1, $0x1  }
0x8e: {  	(v2sf) =	vpush v1, $0x2;
	_ =	sdelay $0x3  }
0x8f: {  	s0 =	sadd.s32 $0x70, s24  }
0x90: {  	s2 =	ssub.s32 $0x27100, s24;
	p2 =	slt.s32 s8, s0  }
0x91: {  	s0 =	smov.u32 @p2 s8;
	p2 =	sgt.s32 s2, $0x0  }
0x92: {  	s0 =	ssub.s32 s0, s24;
	s2 =	simm.s32 @!p2 $0x0  }
0x93: {  	p2 =	slt.s32 s2, s0  }
0x94: {  	s0 =	smov.u32 @p2 s2  }
0x95: {  	s4 =	simm.s32 $0x1;
	p2 =	slt.s32 s0, $0x1  }
.Ltmp10:
0x96: {  	s4 =	simm.s32 @!p1 $0x0;
	(pc) =	sbr.rel @p2 .LBB2_14-.Ltmp10, $4  }
0x97: {  	s30 =	smul.u32 $0x1C0, s4  }
0x98: {  	s5 =	spop (v2sf)  }
0x99: {  	s31 =	sshrl.u32 s30, $0x2;
	s28 =	spop (v2sf)  }
0x9a: {  	s25 =	sadd.s32 $0x10598, s31;
	s24 =	spop (v2sf)  }
0x9b: {  	s2 =	smin.u32 s0, $0x10  }
0x9c: {  	v1 =	vmov s2  }
0x9d: {  	vm1 =	vgt.u32 v1, v0  }
0x9e: {  	p3 =	sgt.s32 s0, $0x10  }
.Ltmp11:
0x9f: {  	_ = 	snop;
	(pc) =	sbr.rel @!p3 .LBB2_13-.Ltmp11, $2  }
0xa0: {  	_ =	sdelay $0x2  }
0xa1: {  	s26 =	simm.s32 $0x10;
	s29 =	sadd.s32 $0xFFFFFFF0, s0;
	s2 =	smov.u32 s25;
	vm0 =	vmmov vm1;
	v1 =	vld.msk [tilespmem:s25+$0x0 ss:$0x1], vm1  }
.LBB2_12:
0xa2: {  	s3 =	smin.u32 s29, $0x10;
	s26 =	sadd.s32 $0x10, s26  }
0xa3: {  	v2 =	vmov s3;
	p3 =	slt.s32 s26, s0  }
0xa4: {  	vm1 =	vgt.u32 v2, v0;
	_ =	sdelay $0x1  }
0xa5: {  	v2 =	vshll.u32 v1, $0x5;
	v1 =	vshll.u32 v1, $0x4  }
.Ltmp12:
0xa6: {  	v2 =	vand.u32 $0xFFFFFF00, v2;
	v1 =	vand.u32 $0x70, v1;
	(pc) =	sbr.rel @p3 .LBB2_12-.Ltmp12, $4  }
0xa7: {  	v1 =	vor.u32 v1, v2  }
0xa8: {  	[tilespmem:s2+$0x0] =	vst.msk vm0, v1;
	s2 =	sadd.s32 $0x10, s2;
	vm0 =	vmmov vm1  }
0xa9: {  	v1 =	vld.msk [tilespmem:s2+$0x0 ss:$0x1], vm1  }
0xaa: {  	s29 =	sadd.s32 $0xFFFFFFF0, s29  }
.LBB2_13:
0xab: {  	_ =	sdelay $0x3  }
0xac: {  	v2 =	vshll.u32 v1, $0x5;
	v1 =	vshll.u32 v1, $0x4  }
0xad: {  	v2 =	vand.u32 $0xFFFFFF00, v2;
	v1 =	vand.u32 $0x70, v1  }
0xae: {  	v1 =	vor.u32 v1, v2  }
0xaf: {  	[tilespmem:s2+$0x0] =	vst.msk vm0, v1  }
.LBB2_14:
0xb0: {  	s2 =	sand.u32 $0x1, s23  }
0xb1: {  	s2 =	smul.u32 $0x70, s2  }
0xb2: {  	p3 =	sne.s32 s28, $0xFFFFFFFF  }
0xb3: {  	v1 =	vld.msk @!p3 [tilespmem:s2+$0x10598], $0x1;
	_ =	sdelay $0x4  }
0xb4: {  	(v2sf) =	vpush @!p3 v1, $0x0;
	_ =	sdelay $0xc  }
.Ltmp13:
0xb5: {  	_ = 	snop;
	(pc) =	sbr.rel @p2 .LBB2_25-.Ltmp13, $4  }
0xb6: {  	_ = 	snop  }
0xb7: {  	s31 =	spop @!p3 (v2sf)  }
0xb8: {  	s24 =	simm.s32 @!p3 $0x0;
	s26 =	smov.u32 s31  }
0xb9: {  	[sflag:s17] =	ssyncpa.u1 $0x0;
	s31 =	smov.u32 @p3 s5;
	s26 =	smov.u32 @p3 s28  }
0xba: {  	v1 =	vld.msk [tilespmem:s25+$0x0], $0x1;
	_ =	sdelay $0x4  }
0xbb: {  	(v2sf) =	vpush v1, $0x0;
	_ =	sdelay $0xe  }
0xbc: {  	s7 =	smov.u32 s11;
	s5 =	spop (v2sf)  }
0xbd: {  	s17 =	smov.u32 s15;
	s2 =	smul.u32 $0x1C000, s4;
	p2 =	seq.s32 s31, s5  }
0xbe: {  	s3 =	smov.u32 s31;
	s29 =	ssub.s32 $0x0, s0;
	p3 =	sgt.s32 @!p2 s31, $0x0  }
0xbf: {  	s30 =	simm.s32 $0x0;
	s2 =	sshrl.u32 s2, $0x2;
	p3 =	por !p3, p2  }
0xc0: {  	s0 =	sadd.s32 $0x1, s29;
	s28 =	sor.u32 $0x106F8, s2;
	s3 =	simm.s32 @p3 $0x0  }
0xc1: {  	s2 =	simm.s32 @!p2 $0x1;
	p3 =	seq.s32 s0, $0x0;
	s3 =	smin.u32 @!p2 s3, $0x4E170  }
.Ltmp14:
0xc2: {  	s4 =	simm.s32 @!p2 $0x7308;
	s9 =	sand.u32 @!p2 $0x7FFF8, s3;
	(pc) =	sbr.rel @p3 .LBB2_17-.Ltmp14, $4  }
0xc3: {  	s10 =	sadd.s32 @!p2 $0x80, s3;
	s11 =	sadd.s32 @!p2 s1, s9;
	s9 =	sand.u32 @!p2 $0x7, s3  }
0xc4: {  	[tilespmem:s4], [sflag:$0x2] =	stream.linear.gather @!p2 [hbm4b:s11+s9], $0x80, $0x38;
	[tilespmem:$0x1E678] =	vst v63  }
0xc5: {  	s15 =	smov.u32 s14;
	s2 =	smov.u32 @p2 s30;
	s4 =	sand.u32 @!p2 $0xFFFF8, s10  }
0xc6: {  	s3 =	simm.s32 @!p2 $0x7388;
	s10 =	sadd.s32 @!p2 s1, s4;
	s4 =	sadd.s32 $0x1, s25  }
.LBB2_16:
0xc7: {  	s11 =	smov.u32 s2  }
0xc8: {  	[tilespmem:s3], [sflag:$0x2] =	stream.linear.gather @!p2 [hbm4b:s10+s9], $0x80, $0x38;
	[tilespmem:$0x1E678] =	vst v63  }
0xc9: {  	s0 =	sadd.s32 $0x1, s0;
	s9 =	smov.u32 s5;
	v1 =	vld.msk [tilespmem:s4+$0x0], $0x1  }
0xca: {  	p3 =	seq.s32 s0, $0x0;
	_ =	sdelay $0x3  }
0xcb: {  	(v2sf) =	vpush v1, $0x0;
	_ =	sdelay $0xe  }
0xcc: {  	s5 =	spop (v2sf)  }
0xcd: {  	p2 =	seq.s32 s9, s5  }
0xce: {  	p4 =	sgt.s32 @!p2 s9, $0x0;
	s3 =	sshll.u32 @!p2 s2, $0xA;
	s2 =	sadd.s32 @!p2 $0x1, s2  }
0xcf: {  	p4 =	por !p4, p2;
	s3 =	sshra.s32 @!p2 s3, $0x2;
	s2 =	smov.u32 @p2 s11  }
0xd0: {  	s9 =	simm.s32 @p4 $0x0;
	s10 =	sadd.s32 @!p2 $0x7308, s3;
	s3 =	sadd.s32 @!p2 $0x7388, s3  }
.Ltmp15:
0xd1: {  	s9 =	smin.u32 @!p2 s9, $0x4E170;
	(pc) =	sbr.rel @!p3 .LBB2_16-.Ltmp15, $4  }
0xd2: {  	s11 =	sand.u32 @!p2 $0x7FFF8, s9;
	s14 =	sadd.s32 @!p2 $0x80, s9  }
0xd3: {  	s9 =	sand.u32 @!p2 $0x7, s9;
	s11 =	sadd.s32 @!p2 s1, s11;
	s14 =	sand.u32 @!p2 $0xFFFF8, s14  }
0xd4: {  	[tilespmem:s10], [sflag:$0x2] =	stream.linear.gather @!p2 [hbm4b:s11+s9], $0x80, $0x38;
	[tilespmem:$0x1E678] =	vst v63  }
0xd5: {  	s4 =	sadd.s32 $0x1, s4;
	s10 =	sadd.s32 @!p2 s1, s14  }
.LBB2_17:
0xd6: {  	[tilespmem:s3], [sflag:$0x2] =	stream.linear.gather @!p2 [hbm4b:s10+s9], $0x80, $0x38;
	[tilespmem:$0x1E678] =	vst v63  }
0xd7: {  	s0 =	sshll.u32 s2, $0x8  }
.Ltmp16:
0xd8: {  	s14 =	simm.s32 $0x2;
	s0 =	sand.u32 $0x3FFFFF00, s0;
	(pc) =	sbr.rel .LBB2_18-.Ltmp16, $4  }
0xd9: {  	_ =	swait.ge [sflag:s14], s0  }
0xda: {  	s0 =	ssub.s32 $0x0, s0;
	[sflag:s14] =	ssyncset.done $0x0  }
0xdb: {  	s4 =	simm.s32 $0x0;
	s11 =	smov.u32 s7;
	[sflag:s14] =	ssyncadd.s32 s0  }
0xdc: {  	s14 =	smov.u32 s15;
	s15 =	smov.u32 s17;
	s17 =	simm.s32 $0xC  }
.LBB2_19:
0xdd: {  	v1 =	vld [tilespmem:s28+$0xFFFFFF80];
	_ =	sdelay $0x4  }
0xde: {  	[tilespmem:s5+$0x208] =	vst.add.f32.msk $0xffff, v1  }
0xdf: {  	v1 =	vld [tilespmem:s28+$0xFFFFFF90];
	_ =	sdelay $0x4  }
0xe0: {  	[tilespmem:s5+$0x218] =	vst.add.f32.msk $0xffff, v1  }
0xe1: {  	v1 =	vld [tilespmem:s28+$0xFFFFFFA0];
	_ =	sdelay $0x4  }
0xe2: {  	[tilespmem:s5+$0x228] =	vst.add.f32.msk $0xffff, v1  }
0xe3: {  	v1 =	vld [tilespmem:s28+$0xFFFFFFB0];
	_ =	sdelay $0x4  }
0xe4: {  	[tilespmem:s5+$0x238] =	vst.add.f32.msk $0xffff, v1  }
0xe5: {  	v1 =	vld [tilespmem:s28+$0xFFFFFFC0];
	_ =	sdelay $0x4  }
0xe6: {  	[tilespmem:s5+$0x248] =	vst.add.f32.msk $0xffff, v1  }
0xe7: {  	v1 =	vld [tilespmem:s28+$0xFFFFFFD0];
	_ =	sdelay $0x4  }
0xe8: {  	[tilespmem:s5+$0x258] =	vst.add.f32.msk $0xffff, v1  }
0xe9: {  	v1 =	vld [tilespmem:s28+$0xFFFFFFE0];
	_ =	sdelay $0x4  }
0xea: {  	[tilespmem:s5+$0x268] =	vst.add.f32.msk $0xffff, v1  }
0xeb: {  	v1 =	vld [tilespmem:s28+$0xFFFFFFF0];
	_ =	sdelay $0x4  }
0xec: {  	[tilespmem:s5+$0x278] =	vst.add.f32.msk $0xffff, v1  }
0xed: {  	v1 =	vld [tilespmem:s28+$0x0];
	_ =	sdelay $0x4  }
0xee: {  	[tilespmem:s5+$0x288] =	vst.add.f32.msk $0xffff, v1  }
0xef: {  	v1 =	vld [tilespmem:s28+$0x10];
	_ =	sdelay $0x4  }
0xf0: {  	[tilespmem:s5+$0x298] =	vst.add.f32.msk $0xffff, v1  }
0xf1: {  	v1 =	vld [tilespmem:s28+$0x20];
	_ =	sdelay $0x4  }
0xf2: {  	[tilespmem:s5+$0x2A8] =	vst.add.f32.msk $0xffff, v1  }
0xf3: {  	v1 =	vld [tilespmem:s28+$0x30];
	_ =	sdelay $0x4  }
0xf4: {  	[tilespmem:s5+$0x2B8] =	vst.add.f32.msk $0xffff, v1  }
0xf5: {  	v1 =	vld [tilespmem:s28+$0x40];
	_ =	sdelay $0x4  }
0xf6: {  	[tilespmem:s5+$0x2C8] =	vst.add.f32.msk $0xffff, v1  }
0xf7: {  	v1 =	vld [tilespmem:s28+$0x50];
	_ =	sdelay $0x4  }
0xf8: {  	[tilespmem:s5+$0x2D8] =	vst.add.f32.msk $0xffff, v1  }
0xf9: {  	v1 =	vld [tilespmem:s28+$0x60];
	_ =	sdelay $0x4  }
0xfa: {  	[tilespmem:s5+$0x2E8] =	vst.add.f32.msk $0xffff, v1  }
0xfb: {  	v1 =	vld [tilespmem:s28+$0x70];
	_ =	sdelay $0x4  }
0xfc: {  	[tilespmem:s5+$0x2F8] =	vst.add.f32.msk $0xffff, v1  }
.LBB2_23:
0xfd: {  	s29 =	sadd.s32 $0x1, s29  }
0xfe: {  	p2 =	seq.s32 s29, $0x0  }
.Ltmp17:
0xff: {  	_ = 	snop;
	(pc) =	sbr.rel @p2 .LBB2_24-.Ltmp17, $2  }
0x100: {  	_ =	sdelay $0x2  }
0x101: {  	s25 =	sadd.s32 $0x1, s25;
	s28 =	sadd.s32 $0x100, s28;
	s31 =	smov.u32 s0  }
.LBB2_18:
0x102: {  	v1 =	vld.msk [tilespmem:s25+$0x0], $0x1;
	_ =	sdelay $0x4  }
0x103: {  	(v2sf) =	vpush v1, $0x0;
	_ =	sdelay $0xe  }
0x104: {  	s0 =	spop (v2sf)  }
0x105: {  	p2 =	sne.s32 s31, s0  }
.Ltmp18:
0x106: {  	_ = 	snop;
	(pc) =	sbr.rel @!p2 .LBB2_19-.Ltmp18, $3  }
0x107: {  	_ =	sdelay $0x1  }
0x108: {  	s2 =	sshll.u32 s24, $0xA  }
0x109: {  	s5 =	sshra.s32 s2, $0x2  }
0x10a: {  	p2 =	seq.s32 s31, s26  }
.Ltmp19:
0x10b: {  	_ = 	snop;
	(pc) =	sbr.rel @!p2 .LBB2_21-.Ltmp19, $1  }
0x10c: {  	_ =	sdelay $0x3  }
.Ltmp20:
0x10d: {  	s2 =	sadd.s32 $0x208, s5;
	(pc) =	sbr.rel .LBB2_22-.Ltmp20, $4  }
0x10e: {  	[spmem:s16] =	stream.linear.scatter [tilespmem:s2], [sflag:$0x1], $0x100, $0x38;
	[tilespmem:$0x1E678] =	vst v63  }
0x10f: {  	_ =	swait.ge [sflag:s12], $0x100  }
0x110: {  	[sflag:s12] =	ssyncset.done $0x0  }
0x111: {  	[sflag:s12] =	ssyncadd.s32 $0xFFFFFF00  }
.LBB2_21:
0x112: {  	s2 =	sshll.u32 s30, $0xA  }
0x113: {  	s2 =	sshra.s32 s2, $0x2  }
0x114: {  	v1 =	vld [tilespmem:s2+$0x7308];
	_ =	sdelay $0x4  }
0x115: {  	[tilespmem:s5+$0x208] =	vst.add.f32.msk $0xffff, v1  }
0x116: {  	v1 =	vld [tilespmem:s2+$0x7318];
	_ =	sdelay $0x4  }
0x117: {  	[tilespmem:s5+$0x218] =	vst.add.f32.msk $0xffff, v1  }
0x118: {  	v1 =	vld [tilespmem:s2+$0x7328];
	_ =	sdelay $0x4  }
0x119: {  	[tilespmem:s5+$0x228] =	vst.add.f32.msk $0xffff, v1  }
0x11a: {  	v1 =	vld [tilespmem:s2+$0x7338];
	_ =	sdelay $0x4  }
0x11b: {  	[tilespmem:s5+$0x238] =	vst.add.f32.msk $0xffff, v1  }
0x11c: {  	v1 =	vld [tilespmem:s2+$0x7348];
	_ =	sdelay $0x4  }
0x11d: {  	[tilespmem:s5+$0x248] =	vst.add.f32.msk $0xffff, v1  }
0x11e: {  	v1 =	vld [tilespmem:s2+$0x7358];
	_ =	sdelay $0x4  }
0x11f: {  	[tilespmem:s5+$0x258] =	vst.add.f32.msk $0xffff, v1  }
0x120: {  	v1 =	vld [tilespmem:s2+$0x7368];
	_ =	sdelay $0x4  }
0x121: {  	[tilespmem:s5+$0x268] =	vst.add.f32.msk $0xffff, v1  }
0x122: {  	v1 =	vld [tilespmem:s2+$0x7378];
	_ =	sdelay $0x4  }
0x123: {  	[tilespmem:s5+$0x278] =	vst.add.f32.msk $0xffff, v1  }
0x124: {  	v1 =	vld [tilespmem:s2+$0x7388];
	_ =	sdelay $0x4  }
0x125: {  	[tilespmem:s5+$0x288] =	vst.add.f32.msk $0xffff, v1  }
0x126: {  	v1 =	vld [tilespmem:s2+$0x7398];
	_ =	sdelay $0x4  }
0x127: {  	[tilespmem:s5+$0x298] =	vst.add.f32.msk $0xffff, v1  }
0x128: {  	v1 =	vld [tilespmem:s2+$0x73A8];
	_ =	sdelay $0x4  }
0x129: {  	[tilespmem:s5+$0x2A8] =	vst.add.f32.msk $0xffff, v1  }
0x12a: {  	v1 =	vld [tilespmem:s2+$0x73B8];
	_ =	sdelay $0x4  }
0x12b: {  	[tilespmem:s5+$0x2B8] =	vst.add.f32.msk $0xffff, v1  }
0x12c: {  	v1 =	vld [tilespmem:s2+$0x73C8];
	_ =	sdelay $0x4  }
0x12d: {  	[tilespmem:s5+$0x2C8] =	vst.add.f32.msk $0xffff, v1  }
0x12e: {  	v1 =	vld [tilespmem:s2+$0x73D8];
	_ =	sdelay $0x4  }
0x12f: {  	[tilespmem:s5+$0x2D8] =	vst.add.f32.msk $0xffff, v1  }
0x130: {  	v1 =	vld [tilespmem:s2+$0x73E8];
	_ =	sdelay $0x4  }
0x131: {  	[tilespmem:s5+$0x2E8] =	vst.add.f32.msk $0xffff, v1  }
0x132: {  	v1 =	vld [tilespmem:s2+$0x73F8];
	_ =	sdelay $0x2  }
0x133: {  	p2 =	sgt.u32 s31, $0x4E170  }
0x134: {  	s2 =	sand.u32 @!p2 $0x7FFF8, s31  }
0x135: {  	s3 =	sadd.s32 $0x208, s5;
	s9 =	sand.u32 @!p2 $0x7, s31;
	s2 =	sadd.s32 @!p2 s1, s2;
	[tilespmem:s5+$0x2F8] =	vst.add.f32.msk $0xffff, v1  }
0x136: {  	[hbm4b:s2+s9] =	stream.linear.scatter @!p2 [tilespmem:s3], [sflag:$0xC], $0x80, $0x38;
	[tilespmem:$0x1E678] =	vst v63  }
0x137: {  	s2 =	sadd.s32 @!p2 $0x80, s31  }
0x138: {  	s2 =	sand.u32 @!p2 $0xFFFF8, s2  }
0x139: {  	s3 =	sadd.s32 $0x288, s5;
	s2 =	sadd.s32 @!p2 s1, s2  }
0x13a: {  	[hbm4b:s2+s9] =	stream.linear.scatter @!p2 [tilespmem:s3], [sflag:$0xC], $0x80, $0x38;
	[tilespmem:$0x1E678] =	vst v63  }
0x13b: {  	s2 =	simm.s32 $0x0  }
0x13c: {  	s2 =	simm.s32 @!p2 $0x400  }
0x13d: {  	s4 =	sadd.s32 s2, s4  }
.LBB2_22:
0x13e: {  	s2 =	sadd.s32 $0x1, s24  }
0x13f: {  	s3 =	sshrl.u32 s2, $0x4  }
0x140: {  	s3 =	smulhi.u32 $0x24924925, s3  }
0x141: {  	v1 =	vld [tilespmem:s28+$0xFFFFFF80]  }
0x142: {  	s3 =	smul.u32 $0x70, s3;
	_ =	sdelay $0x1  }
0x143: {  	s24 =	ssub.s32 s2, s3  }
0x144: {  	s2 =	sshll.u32 s24, $0x8  }
0x145: {  	[tilespmem:s2+$0x208] =	vst v1  }
0x146: {  	v1 =	vld [tilespmem:s28+$0xFFFFFF90];
	_ =	sdelay $0x4  }
0x147: {  	[tilespmem:s2+$0x218] =	vst v1  }
0x148: {  	v1 =	vld [tilespmem:s28+$0xFFFFFFA0];
	_ =	sdelay $0x4  }
0x149: {  	[tilespmem:s2+$0x228] =	vst v1  }
0x14a: {  	v1 =	vld [tilespmem:s28+$0xFFFFFFB0];
	_ =	sdelay $0x4  }
0x14b: {  	[tilespmem:s2+$0x238] =	vst v1  }
0x14c: {  	v1 =	vld [tilespmem:s28+$0xFFFFFFC0];
	_ =	sdelay $0x4  }
0x14d: {  	[tilespmem:s2+$0x248] =	vst v1  }
0x14e: {  	v1 =	vld [tilespmem:s28+$0xFFFFFFD0];
	_ =	sdelay $0x4  }
0x14f: {  	[tilespmem:s2+$0x258] =	vst v1  }
0x150: {  	v1 =	vld [tilespmem:s28+$0xFFFFFFE0];
	_ =	sdelay $0x4  }
0x151: {  	[tilespmem:s2+$0x268] =	vst v1  }
0x152: {  	v1 =	vld [tilespmem:s28+$0xFFFFFFF0];
	_ =	sdelay $0x4  }
0x153: {  	[tilespmem:s2+$0x278] =	vst v1  }
0x154: {  	v1 =	vld [tilespmem:s28+$0x0];
	_ =	sdelay $0x4  }
0x155: {  	[tilespmem:s2+$0x288] =	vst v1  }
0x156: {  	v1 =	vld [tilespmem:s28+$0x10];
	_ =	sdelay $0x4  }
0x157: {  	[tilespmem:s2+$0x298] =	vst v1  }
0x158: {  	v1 =	vld [tilespmem:s28+$0x20];
	_ =	sdelay $0x4  }
0x159: {  	[tilespmem:s2+$0x2A8] =	vst v1  }
0x15a: {  	v1 =	vld [tilespmem:s28+$0x30];
	_ =	sdelay $0x4  }
0x15b: {  	[tilespmem:s2+$0x2B8] =	vst v1  }
0x15c: {  	v1 =	vld [tilespmem:s28+$0x40];
	_ =	sdelay $0x4  }
0x15d: {  	[tilespmem:s2+$0x2C8] =	vst v1  }
0x15e: {  	v1 =	vld [tilespmem:s28+$0x50];
	_ =	sdelay $0x4  }
0x15f: {  	[tilespmem:s2+$0x2D8] =	vst v1  }
0x160: {  	v1 =	vld [tilespmem:s28+$0x60];
	_ =	sdelay $0x4  }
0x161: {  	[tilespmem:s2+$0x2E8] =	vst v1  }
0x162: {  	v1 =	vld [tilespmem:s28+$0x70]  }
.Ltmp21:
0x163: {  	_ = 	snop;
	(pc) =	sbr.rel .LBB2_23-.Ltmp21, $2  }
0x164: {  	_ =	sdelay $0x2  }
0x165: {  	s30 =	sadd.s32 $0x1, s30;
	[tilespmem:s2+$0x2F8] =	vst v1  }
.LBB2_25:
.Ltmp22:
0x166: {  	(pc) =	sbr.rel .LBB2_26-.Ltmp22, $4  }
0x167: {  	_ = 	snop  }
0x168: {  	s0 =	simm.s32 $0x2  }
0x169: {  	_ =	swait.ge [sflag:s0], $0x0  }
0x16a: {  	s2 =	simm.s32 $0x0;
	[sflag:s0] =	ssyncset.done $0x0;
	s0 =	smov.u32 s31  }
.LBB2_28:
0x16b: {  	_ =	sfence.sel $0x180000  }
0x16c: {  	s0 =	simm.s32 $0x9;
	[bflag:$0x0] =	sbarrier.arrive $0xFFFF  }
0x16d: {  	s24 =	simm.s32 $0xA;
	[sflag:s0] =	ssyncpa.u1 $0x1  }
0x16e: {  	s25 =	simm.s32 $0xB;
	[sflag:s24] =	ssyncpa.u1 $0x1  }
0x16f: {  	s26 =	simm.s32 $0x2;
	[sflag:s25] =	ssyncpa.u1 $0x1  }
0x170: {  	[sflag:s26] =	ssyncpa.u1 $0x1  }
0x171: {  	v0 =	vld [tilespmem:$0xE408];
	_ =	sdelay $0x4  }
0x172: {  	(v2sf) =	vpush v0, $0x0  }
0x173: {  	(v2sf) =	vpush v0, $0x1;
	_ =	sdelay $0x1  }
0x174: {  	(v2sf) =	vpush v0, $0x2;
	_ =	sdelay $0xb  }
0x175: {  	s0 =	spop (v2sf)  }
0x176: {  	s2 =	spop (v2sf)  }
0x177: {  	s3 =	smov.u32 s0;
	p0 =	sne.s32 s0, s2  }
0x178: {  	s4 =	spop (v2sf);
	s3 =	simm.s32 @!p0 $0xFFFFFFFF  }
0x179: {  	v2 =	vimm.s32 $0x1;
	v3 =	vlaneseq.u32;
	p0 =	seq.s32 s4, $0xFFFFFFFF;
	v1 =	vmov s3  }
0x17a: {  	s15 =	stileid.u32;
	v0 =	vperm.xlane v0, v2;
	p1 =	sne.s32 @!p0 s0, s2;
	v1 =	vperm.xlane v1, v3  }
0x17b: {  	vm0 =	vcmask $0x3F04;
	s6 =	simm.s32 $0xE408;
	s0 =	simm.s32 @!p0 $0x1;
	p1 =	por !p1, p0  }
0x17c: {  	s3 =	sshll.u32 s15, $0x1;
	s2 =	sshll.u32 @!p0 s4, $0xA;
	s0 =	simm.s32 @p1 $0x0;
	v0 =	vsel vm0, v1, v0  }
0x17d: {  	s5 =	sor.u32 $0x2000, s3;
	s2 =	sshra.s32 @!p0 s2, $0x2;
	s0 =	sor.u32 @!p0 s0, s3;
	[tilespmem:$0xE408] =	vst v0  }
0x17e: {  	[spmem:s5] =	stream.linear.scatter [tilespmem:s6], [sflag:$0x1], $0x2, $0x38;
	[tilespmem:$0x1E678] =	vst v63  }
0x17f: {  	s2 =	sadd.s32 @!p0 $0x208, s2;
	s0 =	sshll.u32 @!p0 s0, $0x8  }
0x180: {  	[spmem:s0] =	stream.linear.scatter @!p0 [tilespmem:s2], [sflag:$0x1], $0x100, $0x38;
	[tilespmem:$0x1E678] =	vst v63  }
0x181: {  	s0 =	simm.s32 @!p0 $0x102  }
0x182: {  	s28 =	simm.s32 $0x1;
	s0 =	simm.s32 @p0 $0x2  }
0x183: {  	_ =	swait.ge [sflag:s28], s0  }
0x184: {  	s0 =	ssub.s32 $0x0, s0;
	[sflag:s28] =	ssyncset.done $0x0  }
0x185: {  	p0 =	sne.s32 s15, $0x0;
	[sflag:s28] =	ssyncadd.s32 s0  }
.Ltmp23:
0x186: {  	_ =	sfence.stream.spmem;
	(pc) =	sbr.rel @p0 .LBB2_45-.Ltmp23, $4  }
0x187: {  	s29 =	simm.s32 $0x3;
	[bflag:$0x0] =	sbarrier.arrive $0xFFFF  }
0x188: {  	s30 =	simm.s32 $0x4;
	[sflag:s29] =	ssyncpa.u1 $0x1  }
0x189: {  	s31 =	simm.s32 $0x3C;
	[sflag:s30] =	ssyncpa.u1 $0x1  }
0x18a: {  	s14 =	rddreg [dreg:$0x5];
	[sflag:s31] =	ssyncpa.u1 $0x1  }
0x18b: {  	_ =	sfence.stream.spmem;
	s0 =	simm.s32 $0x5  }
0x18c: {  	s2 =	simm.s32 $0x2000;
	s3 =	simm.s32 $0xE418;
	[sflag:s0] =	ssyncpa.u1 $0x0  }
0x18d: {  	[tilespmem:s3], [sflag:$0x5] =	stream.linear.gather [spmem:s2], $0x20, $0x38;
	[tilespmem:$0x1E678] =	vst v63  }
0x18e: {  	s26 =	simm.s32 $0x0;
	s28 =	simm.s32 $0xE438  }
0x18f: {  	[tilespmem:s28], [sflag:$0x5] =	stream.linear.gather [spmem:s26], $0x2000, $0x38;
	[tilespmem:$0x1E678] =	vst v63  }
0x190: {  	_ =	swait.ge [sflag:s0], $0x2020  }
0x191: {  	[sflag:s0] =	ssyncset.done $0x0  }
0x192: {  	s29 =	simm.s32 $0x0;
	[sflag:s0] =	ssyncadd.s32 $0xFFFFDFE0  }
0x193: {  	v0 =	vld.msk [tilespmem:s29+$0xE418], $0x1;
	_ =	sdelay $0x1  }
0x194: {  	s30 =	simm.s32 $0x1  }
0x195: {  	v1 =	vld.msk [tilespmem:s30+$0xE418], $0x1;
	_ =	sdelay $0x1  }
0x196: {  	(v2sf) =	vpush v0, $0x0;
	_ =	sdelay $0x2  }
0x197: {  	(v2sf) =	vpush v1, $0x0;
	_ =	sdelay $0x2  }
0x198: {  	s31 =	simm.s32 $0x2  }
0x199: {  	v0 =	vld.msk [tilespmem:s31+$0xE418], $0x1;
	_ =	sdelay $0x2  }
0x19a: {  	s2 =	simm.s32 $0xFFFFFFFF;
	s3 =	simm.s32 $0xFFFFFFFF;
	s0 =	simm.s32 $0xC  }
.LBB2_30:
0x19b: {  	s4 =	smov.u32 s3;
	s5 =	smov.u32 s2  }
0x19c: {  	s2 =	sshra.s32 s0, $0x2;
	p1 =	sne.s32 s0, $0x7C;
	s0 =	sadd.s32 $0x4, s0;
	(v2sf) =	vpush v0, $0x0  }
0x19d: {  	v0 =	vld.msk [tilespmem:s2+$0xE418], $0x1  }
.Ltmp24:
0x19e: {  	(pc) =	sbr.rel @p1 .LBB2_30-.Ltmp24, $4  }
0x19f: {  	s3 =	spop (v2sf)  }
0x1a0: {  	p2 =	sne.s32 s5, $0xFFFFFFFF;
	s2 =	smov.u32 s3  }
0x1a1: {  	p3 =	seq.s32 s3, $0xFFFFFFFF;
	s2 =	smov.u32 @p2 s5  }
0x1a2: {  	s3 =	smov.u32 @p3 s4;
	s2 =	smov.u32 @p3 s5  }
0x1a3: {  	(v2sf) =	vpush v0, $0x0;
	_ =	sdelay $0x8  }
0x1a4: {  	s0 =	spop (v2sf)  }
0x1a5: {  	p1 =	sne.s32 s2, $0xFFFFFFFF;
	s9 =	simm.s32 $0x6;
	s4 =	smov.u32 s0  }
0x1a6: {  	s6 =	simm.s32 $0x0;
	p2 =	seq.s32 s0, $0xFFFFFFFF;
	s4 =	smov.u32 @p1 s2  }
0x1a7: {  	s10 =	simm.s32 $0xE308;
	s4 =	smov.u32 @p2 s2;
	s2 =	spop (v2sf)  }
0x1a8: {  	s0 =	smov.u32 @p2 s3;
	p1 =	sne.s32 s4, $0xFFFFFFFF;
	s5 =	smov.u32 s2  }
.Ltmp25:
0x1a9: {  	p2 =	seq.s32 s2, $0xFFFFFFFF;
	s5 =	smov.u32 @p1 s4;
	(pc) =	sbr.rel .LBB2_32-.Ltmp25, $4  }
0x1aa: {  	s11 =	simm.s32 $0xE388;
	s5 =	smov.u32 @p2 s4;
	s7 =	spop (v2sf)  }
0x1ab: {  	s12 =	simm.s32 $0x0;
	p1 =	sne.s32 s5, $0xFFFFFFFF;
	s8 =	smov.u32 s7  }
0x1ac: {  	s2 =	smov.u32 @p2 s0;
	p2 =	seq.s32 s7, $0xFFFFFFFF;
	s8 =	smov.u32 @p1 s5  }
0x1ad: {  	[sflag:s9] =	ssyncpa.u1 $0x0;
	s7 =	smov.u32 @p2 s2;
	s8 =	smov.u32 @p2 s5  }
.LBB2_38:
0x1ae: {  	p1 =	sgt.u32 s0, $0x4E170  }
0x1af: {  	p2 =	seq.s32 @!p1 s0, s8  }
0x1b0: {  	p1 =	por p1, p2  }
0x1b1: {  	p2 =	sne.s32 @!p1 s0, s7  }
0x1b2: {  	p1 =	por p1, !p2  }
0x1b3: {  	s0 =	sshll.u32 @p1 s12, $0xA  }
0x1b4: {  	s2 =	sand.u32 @!p1 $0x7FFF8, s0;
	s3 =	sand.u32 @!p1 $0x7, s0;
	s0 =	sadd.s32 @!p1 $0x80, s0  }
0x1b5: {  	s2 =	sadd.s32 @!p1 s1, s2;
	s0 =	sand.u32 @!p1 $0xFFFF8, s0  }
0x1b6: {  	[tilespmem:s10], [sflag:$0x6] =	stream.linear.gather @!p1 [hbm4b:s2+s3], $0x80, $0x38;
	[tilespmem:$0x1E678] =	vst v63  }
0x1b7: {  	s0 =	sadd.s32 @!p1 s1, s0  }
0x1b8: {  	[tilespmem:s11], [sflag:$0x6] =	stream.linear.gather @!p1 [hbm4b:s0+s3], $0x80, $0x38;
	[tilespmem:$0x1E678] =	vst v63  }
0x1b9: {  	_ =	swait.ge @!p1 [sflag:s9], $0x100  }
0x1ba: {  	[sflag:s9] =	ssyncset.done @!p1 $0x0  }
0x1bb: {  	[sflag:s9] =	ssyncadd.s32 @!p1 $0xFFFFFF00  }
0x1bc: {  	v1 =	vld @!p1 [tilespmem:$0xE308];
	_ =	sdelay $0x2  }
0x1bd: {  	s0 =	sshll.u32 @!p1 s12, $0xA  }
0x1be: {  	s2 =	sshrl.u32 @!p1 s0, $0x2  }
0x1bf: {  	[tilespmem:s2+$0xE438] =	vst.add.f32.msk @!p1 $0xffff, v1  }
0x1c0: {  	v1 =	vld @!p1 [tilespmem:$0xE318];
	_ =	sdelay $0x4  }
0x1c1: {  	[tilespmem:s2+$0xE448] =	vst.add.f32.msk @!p1 $0xffff, v1  }
0x1c2: {  	v1 =	vld @!p1 [tilespmem:$0xE328];
	_ =	sdelay $0x4  }
0x1c3: {  	[tilespmem:s2+$0xE458] =	vst.add.f32.msk @!p1 $0xffff, v1  }
0x1c4: {  	v1 =	vld @!p1 [tilespmem:$0xE338];
	_ =	sdelay $0x4  }
0x1c5: {  	[tilespmem:s2+$0xE468] =	vst.add.f32.msk @!p1 $0xffff, v1  }
0x1c6: {  	v1 =	vld @!p1 [tilespmem:$0xE348];
	_ =	sdelay $0x4  }
0x1c7: {  	[tilespmem:s2+$0xE478] =	vst.add.f32.msk @!p1 $0xffff, v1  }
0x1c8: {  	v1 =	vld @!p1 [tilespmem:$0xE358];
	_ =	sdelay $0x4  }
0x1c9: {  	[tilespmem:s2+$0xE488] =	vst.add.f32.msk @!p1 $0xffff, v1  }
0x1ca: {  	v1 =	vld @!p1 [tilespmem:$0xE368];
	_ =	sdelay $0x4  }
0x1cb: {  	[tilespmem:s2+$0xE498] =	vst.add.f32.msk @!p1 $0xffff, v1  }
0x1cc: {  	v1 =	vld @!p1 [tilespmem:$0xE378];
	_ =	sdelay $0x4  }
0x1cd: {  	[tilespmem:s2+$0xE4A8] =	vst.add.f32.msk @!p1 $0xffff, v1  }
0x1ce: {  	v1 =	vld @!p1 [tilespmem:$0xE388];
	_ =	sdelay $0x4  }
0x1cf: {  	[tilespmem:s2+$0xE4B8] =	vst.add.f32.msk @!p1 $0xffff, v1  }
0x1d0: {  	v1 =	vld @!p1 [tilespmem:$0xE398];
	_ =	sdelay $0x4  }
0x1d1: {  	[tilespmem:s2+$0xE4C8] =	vst.add.f32.msk @!p1 $0xffff, v1  }
0x1d2: {  	v1 =	vld @!p1 [tilespmem:$0xE3A8];
	_ =	sdelay $0x4  }
0x1d3: {  	[tilespmem:s2+$0xE4D8] =	vst.add.f32.msk @!p1 $0xffff, v1  }
0x1d4: {  	v1 =	vld @!p1 [tilespmem:$0xE3B8];
	_ =	sdelay $0x4  }
0x1d5: {  	[tilespmem:s2+$0xE4E8] =	vst.add.f32.msk @!p1 $0xffff, v1  }
0x1d6: {  	v1 =	vld @!p1 [tilespmem:$0xE3C8];
	_ =	sdelay $0x4  }
0x1d7: {  	[tilespmem:s2+$0xE4F8] =	vst.add.f32.msk @!p1 $0xffff, v1  }
0x1d8: {  	v1 =	vld @!p1 [tilespmem:$0xE3D8];
	_ =	sdelay $0x4  }
0x1d9: {  	[tilespmem:s2+$0xE508] =	vst.add.f32.msk @!p1 $0xffff, v1  }
0x1da: {  	v1 =	vld @!p1 [tilespmem:$0xE3E8];
	_ =	sdelay $0x4  }
0x1db: {  	[tilespmem:s2+$0xE518] =	vst.add.f32.msk @!p1 $0xffff, v1  }
0x1dc: {  	v1 =	vld @!p1 [tilespmem:$0xE3F8];
	_ =	sdelay $0x4  }
0x1dd: {  	[tilespmem:s2+$0xE528] =	vst.add.f32.msk @!p1 $0xffff, v1  }
0x1de: {  	s0 =	sshrl.u32 s0, $0x2;
	[tilespmem:s6+$0xE418] =	vst.msk $0x1, v0  }
0x1df: {  	v0 =	vld [tilespmem:s0+$0xE438];
	_ =	sdelay $0x2  }
0x1e0: {  	s31 =	sshll.u32 s6, $0xA  }
0x1e1: {  	s2 =	sshra.s32 s31, $0x2  }
0x1e2: {  	[tilespmem:s2+$0xE438] =	vst v0  }
0x1e3: {  	v0 =	vld [tilespmem:s0+$0xE448];
	_ =	sdelay $0x4  }
0x1e4: {  	[tilespmem:s2+$0xE448] =	vst v0  }
0x1e5: {  	v0 =	vld [tilespmem:s0+$0xE458];
	_ =	sdelay $0x4  }
0x1e6: {  	[tilespmem:s2+$0xE458] =	vst v0  }
0x1e7: {  	v0 =	vld [tilespmem:s0+$0xE468];
	_ =	sdelay $0x4  }
0x1e8: {  	[tilespmem:s2+$0xE468] =	vst v0  }
0x1e9: {  	v0 =	vld [tilespmem:s0+$0xE478];
	_ =	sdelay $0x4  }
0x1ea: {  	[tilespmem:s2+$0xE478] =	vst v0  }
0x1eb: {  	v0 =	vld [tilespmem:s0+$0xE488];
	_ =	sdelay $0x4  }
0x1ec: {  	[tilespmem:s2+$0xE488] =	vst v0  }
0x1ed: {  	v0 =	vld [tilespmem:s0+$0xE498];
	_ =	sdelay $0x4  }
0x1ee: {  	[tilespmem:s2+$0xE498] =	vst v0  }
0x1ef: {  	v0 =	vld [tilespmem:s0+$0xE4A8];
	_ =	sdelay $0x4  }
0x1f0: {  	[tilespmem:s2+$0xE4A8] =	vst v0  }
0x1f1: {  	v0 =	vld [tilespmem:s0+$0xE4B8];
	_ =	sdelay $0x4  }
0x1f2: {  	[tilespmem:s2+$0xE4B8] =	vst v0  }
0x1f3: {  	v0 =	vld [tilespmem:s0+$0xE4C8];
	_ =	sdelay $0x4  }
0x1f4: {  	[tilespmem:s2+$0xE4C8] =	vst v0  }
0x1f5: {  	v0 =	vld [tilespmem:s0+$0xE4D8];
	_ =	sdelay $0x4  }
0x1f6: {  	[tilespmem:s2+$0xE4D8] =	vst v0  }
0x1f7: {  	v0 =	vld [tilespmem:s0+$0xE4E8];
	_ =	sdelay $0x4  }
0x1f8: {  	[tilespmem:s2+$0xE4E8] =	vst v0  }
0x1f9: {  	v0 =	vld [tilespmem:s0+$0xE4F8];
	_ =	sdelay $0x4  }
0x1fa: {  	[tilespmem:s2+$0xE4F8] =	vst v0  }
0x1fb: {  	v0 =	vld [tilespmem:s0+$0xE508];
	_ =	sdelay $0x4  }
0x1fc: {  	[tilespmem:s2+$0xE508] =	vst v0  }
0x1fd: {  	v0 =	vld [tilespmem:s0+$0xE518];
	_ =	sdelay $0x4  }
0x1fe: {  	[tilespmem:s2+$0xE518] =	vst v0  }
0x1ff: {  	v0 =	vld [tilespmem:s0+$0xE528];
	_ =	sdelay $0x4  }
0x200: {  	s6 =	sadd.s32 $0x1, s6;
	[tilespmem:s2+$0xE528] =	vst v0  }
.LBB2_39:
0x201: {  	s12 =	sadd.s32 $0x1, s12  }
0x202: {  	p1 =	sne.s32 s12, $0x20  }
.Ltmp26:
0x203: {  	_ = 	snop;
	(pc) =	sbr.rel @!p1 .LBB2_40-.Ltmp26, $1  }
0x204: {  	_ =	sdelay $0x3  }
.LBB2_32:
0x205: {  	v0 =	vld.msk [tilespmem:s12+$0xE418], $0x1;
	_ =	sdelay $0x4  }
0x206: {  	(v2sf) =	vpush v0, $0x0;
	_ =	sdelay $0xe  }
0x207: {  	s0 =	spop (v2sf)  }
0x208: {  	p1 =	seq.s32 s0, $0xFFFFFFFF  }
.Ltmp27:
0x209: {  	_ = 	snop;
	(pc) =	sbr.rel @p1 .LBB2_39-.Ltmp27, $1  }
0x20a: {  	_ =	sdelay $0x3  }
0x20b: {  	p1 =	slt.s32 s6, $0x1  }
.Ltmp28:
0x20c: {  	_ = 	snop;
	(pc) =	sbr.rel @p1 .LBB2_38-.Ltmp28, $1  }
0x20d: {  	_ =	sdelay $0x3  }
0x20e: {  	s4 =	simm.s32 $0xE418;
	p1 =	por $0x0, $0x0  }
0x20f: {  	v1 =	vld.msk @!p1 [tilespmem:s4+$0x0], $0x1;
	_ =	sdelay $0x4  }
0x210: {  	(v2sf) =	vpush @!p1 v1, $0x0;
	_ =	sdelay $0xd  }
0x211: {  	p3 =	sne.s32 s6, $0x1  }
.Ltmp29:
0x212: {  	s2 =	spop @!p1 (v2sf);
	(pc) =	sbr.rel @!p3 .LBB2_36-.Ltmp29, $4  }
0x213: {  	p2 =	seq.s32 @!p1 s0, s2  }
0x214: {  	s5 =	simm.s32 $0x0;
	p2 =	por !p2, p1  }
0x215: {  	s2 =	simm.s32 $0xFFFFFFFF;
	s5 =	simm.s32 @p2 $0xFFFFFFFF  }
0x216: {  	s13 =	simm.s32 $0x1;
	s5 =	smov.u32 @p1 s2  }
.LBB2_35:
0x217: {  	s2 =	smov.u32 s5;
	p1 =	sne.s32 s5, $0xFFFFFFFF  }
0x218: {  	s4 =	sadd.s32 $0x1, s4;
	s5 =	smov.u32 s13;
	s13 =	sadd.s32 $0x1, s13  }
0x219: {  	p2 =	sne.s32 s6, s13;
	v1 =	vld.msk @!p1 [tilespmem:s4+$0x0], $0x1;
	_ =	sdelay $0x4  }
0x21a: {  	(v2sf) =	vpush @!p1 v1, $0x0;
	_ =	sdelay $0xe  }
.Ltmp30:
0x21b: {  	s3 =	spop @!p1 (v2sf);
	(pc) =	sbr.rel @p2 .LBB2_35-.Ltmp30, $4  }
0x21c: {  	p3 =	seq.s32 @!p1 s0, s3  }
0x21d: {  	p3 =	por !p3, p1  }
0x21e: {  	s5 =	simm.s32 @p3 $0xFFFFFFFF  }
0x21f: {  	s5 =	smov.u32 @p1 s2  }
.LBB2_36:
0x220: {  	p1 =	seq.s32 s5, $0xFFFFFFFF  }
.Ltmp31:
0x221: {  	_ = 	snop;
	(pc) =	sbr.rel @p1 .LBB2_38-.Ltmp31, $1  }
0x222: {  	_ =	sdelay $0x3  }
0x223: {  	s0 =	sshll.u32 s12, $0x8  }
0x224: {  	s0 =	sand.u32 $0x3FFFFF00, s0  }
0x225: {  	v0 =	vld [tilespmem:s0+$0xE438];
	_ =	sdelay $0x2  }
0x226: {  	s2 =	sshll.u32 s5, $0xA  }
0x227: {  	s2 =	sshra.s32 s2, $0x2  }
0x228: {  	[tilespmem:s2+$0xE438] =	vst.add.f32.msk $0xffff, v0  }
0x229: {  	v0 =	vld [tilespmem:s0+$0xE448];
	_ =	sdelay $0x4  }
0x22a: {  	[tilespmem:s2+$0xE448] =	vst.add.f32.msk $0xffff, v0  }
0x22b: {  	v0 =	vld [tilespmem:s0+$0xE458];
	_ =	sdelay $0x4  }
0x22c: {  	[tilespmem:s2+$0xE458] =	vst.add.f32.msk $0xffff, v0  }
0x22d: {  	v0 =	vld [tilespmem:s0+$0xE468];
	_ =	sdelay $0x4  }
0x22e: {  	[tilespmem:s2+$0xE468] =	vst.add.f32.msk $0xffff, v0  }
0x22f: {  	v0 =	vld [tilespmem:s0+$0xE478];
	_ =	sdelay $0x4  }
0x230: {  	[tilespmem:s2+$0xE478] =	vst.add.f32.msk $0xffff, v0  }
0x231: {  	v0 =	vld [tilespmem:s0+$0xE488];
	_ =	sdelay $0x4  }
0x232: {  	[tilespmem:s2+$0xE488] =	vst.add.f32.msk $0xffff, v0  }
0x233: {  	v0 =	vld [tilespmem:s0+$0xE498];
	_ =	sdelay $0x4  }
0x234: {  	[tilespmem:s2+$0xE498] =	vst.add.f32.msk $0xffff, v0  }
0x235: {  	v0 =	vld [tilespmem:s0+$0xE4A8];
	_ =	sdelay $0x4  }
0x236: {  	[tilespmem:s2+$0xE4A8] =	vst.add.f32.msk $0xffff, v0  }
0x237: {  	v0 =	vld [tilespmem:s0+$0xE4B8];
	_ =	sdelay $0x4  }
0x238: {  	[tilespmem:s2+$0xE4B8] =	vst.add.f32.msk $0xffff, v0  }
0x239: {  	v0 =	vld [tilespmem:s0+$0xE4C8];
	_ =	sdelay $0x4  }
0x23a: {  	[tilespmem:s2+$0xE4C8] =	vst.add.f32.msk $0xffff, v0  }
0x23b: {  	v0 =	vld [tilespmem:s0+$0xE4D8];
	_ =	sdelay $0x4  }
0x23c: {  	[tilespmem:s2+$0xE4D8] =	vst.add.f32.msk $0xffff, v0  }
0x23d: {  	v0 =	vld [tilespmem:s0+$0xE4E8];
	_ =	sdelay $0x4  }
0x23e: {  	[tilespmem:s2+$0xE4E8] =	vst.add.f32.msk $0xffff, v0  }
0x23f: {  	v0 =	vld [tilespmem:s0+$0xE4F8];
	_ =	sdelay $0x4  }
0x240: {  	[tilespmem:s2+$0xE4F8] =	vst.add.f32.msk $0xffff, v0  }
0x241: {  	v0 =	vld [tilespmem:s0+$0xE508];
	_ =	sdelay $0x4  }
0x242: {  	[tilespmem:s2+$0xE508] =	vst.add.f32.msk $0xffff, v0  }
0x243: {  	v0 =	vld [tilespmem:s0+$0xE518];
	_ =	sdelay $0x4  }
0x244: {  	[tilespmem:s2+$0xE518] =	vst.add.f32.msk $0xffff, v0  }
0x245: {  	v0 =	vld [tilespmem:s0+$0xE528]  }
.Ltmp32:
0x246: {  	_ = 	snop;
	(pc) =	sbr.rel .LBB2_39-.Ltmp32, $2  }
0x247: {  	_ =	sdelay $0x2  }
0x248: {  	[tilespmem:s2+$0xE528] =	vst.add.f32.msk $0xffff, v0  }
.LBB2_40:
0x249: {  	s0 =	simm.s32 $0x6;
	p1 =	seq.s32 s6, $0x0  }
0x24a: {  	[sflag:s0] =	ssyncpa.u1 $0x1;
	v0 =	vimm.s32 @p1 $0xFFFFFFFF  }
0x24b: {  	s0 =	sadd.s32 $0xFFFFFFFF, s6;
	[tilespmem:$0x10438] =	vst @p1 v0  }
0x24c: {  	v0 =	vld.msk @!p1 [tilespmem:s0+$0xE418], $0x1;
	_ =	sdelay $0x1  }
0x24d: {  	v1 =	vld.msk @!p1 [tilespmem:$0xE418], $0x1;
	_ =	sdelay $0x2  }
0x24e: {  	p2 =	seq.s32 @!p1 s0, $0x0;
	v0 =	vbroadcast @!p1 v0, $0x0  }
0x24f: {  	vm0 =	vmmov @!p1 $0x1;
	p2 =	por !p2, p1  }
0x250: {  	v1 =	vnsel @!p1 vm0, $0xFFFFFFFF, v1;
	vm0 =	vcmask @!p1 $0x308;
	v0 =	vpsel !p2, $0xFFFFFFFF, v0  }
0x251: {  	p2 =	sne.s32 @!p1 s8, s7;
	v0 =	vsel @!p1 vm0, v1, v0  }
0x252: {  	s2 =	simm.s32 @!p1 $0xE438;
	s3 =	simm.s32 @!p1 $0x0;
	p3 =	por !p2, p1;
	[tilespmem:$0x10438] =	vst @!p1 v0  }
0x253: {  	[spmem:s3] =	stream.linear.scatter @!p1 [tilespmem:s2], [sflag:$0x1], $0x100, $0x38;
	[tilespmem:$0x1E678] =	vst v63  }
0x254: {  	s2 =	sshll.u32 @!p3 s0, $0xA  }
0x255: {  	s2 =	sshra.s32 @!p3 s2, $0x2  }
0x256: {  	s3 =	simm.s32 @!p3 $0x100;
	s2 =	sadd.s32 @!p3 $0xE438, s2  }
0x257: {  	[spmem:s3] =	stream.linear.scatter @!p3 [tilespmem:s2], [sflag:$0x1], $0x100, $0x38;
	[tilespmem:$0x1E678] =	vst v63  }
0x258: {  	s2 =	simm.s32 @!p3 $0x1  }
0x259: {  	_ =	swait.ge @!p3 [sflag:s2], $0x200  }
0x25a: {  	p1 =	por p2, p1;
	[sflag:s2] =	ssyncset.done @!p3 $0x0  }
0x25b: {  	[sflag:s2] =	ssyncadd.s32 @!p3 $0xFFFFFE00;
	s2 =	simm.s32 @!p1 $0x1  }
0x25c: {  	_ =	swait.ge @!p1 [sflag:s2], $0x100  }
0x25d: {  	s29 =	simm.s32 $0x10438;
	[sflag:s2] =	ssyncset.done @!p1 $0x0  }
0x25e: {  	s30 =	simm.s32 $0x2000;
	s31 =	simm.s32 $0x1;
	[sflag:s2] =	ssyncadd.s32 @!p1 $0xFFFFFF00  }
0x25f: {  	[spmem:s30] =	stream.linear.scatter [tilespmem:s29], [sflag:$0x1], $0x10, $0x38;
	[tilespmem:$0x1E678] =	vst v63  }
0x260: {  	_ =	swait.ge [sflag:s31], $0x10  }
0x261: {  	[sflag:s31] =	ssyncset.done $0x0  }
0x262: {  	p1 =	seq.s32 s14, $0x0;
	s9 =	rddreg [dreg:$0x2];
	[sflag:s31] =	ssyncadd.s32 $0xFFFFFFF0  }
0x263: {  	s3 =	sshll.u32 @p1 s9, $0xE;
	s8 =	rddreg [dreg:$0x3]  }
0x264: {  	s2 =	sadd.s32 @p1 $0x15C3C, s3;
	s3 =	sshll.u32 @p1 s8, $0x11  }
0x265: {  	_ =	sfence.stream.spmem;
	s2 =	sor.u32 @p1 s3, s2  }
0x266: {  	[sflag:s2] =	ssyncadd.remote.s32 @p1 $0x1;
	s2 =	simm.s32 @p1 $0x4  }
0x267: {  	s4 =	simm.s32 @!p1 $0x3C;
	s3 =	sand.u32 $0xFFFFFFFE, s9;
	_ =	swait.ge @p1 [sflag:s2], $0x42  }
0x268: {  	s5 =	simm.s32 @!p1 $0x0;
	s3 =	sadd.s32 @!p1 $0x4, s3;
	[sflag:s2] =	ssyncset.done @p1 $0x0  }
0x269: {  	s7 =	simm.s32 @!p1 $0x200;
	[sflag:s2] =	ssyncadd.s32 @p1 $0xFFFFFFBE;
	s2 =	sshll.u32 @!p1 s3, $0x1A  }
0x26a: {  	s3 =	sshll.u32 @!p1 s3, $0xD;
	s2 =	sor.u32 @!p1 s2, s8;
	_ =	swait.eq @!p1 [sflag:s4], $0x1  }
0x26b: {  	s3 =	sor.u32 @!p1 $0x1C04, s3;
	s4 =	simm.s32 @!p1 $0x1C03;
	s2 =	sor.u32 @!p1 $0x80004000, s2  }
0x26c: {  	[spmem:s7], [sflag:s3] =	dma.general @!p1 [spmem:s5], [sflag:s4], length:$0x40, [dreg:$0x0], stride_count:$0x0, ici_dest:s2, dma_misc:DstOpCode:WRITE  }
0x26d: {  	p2 =	slt.s32 s0, $0x2;
	s5 =	simm.s32 @!p1 $0x400;
	s7 =	simm.s32 @!p1 $0x402  }
0x26e: {  	[spmem:s7], [sflag:s3] =	dma.general @!p1 [spmem:s5], [sflag:s4], length:$0x2, [dreg:$0x0], stride_count:$0x0, ici_dest:s2, dma_misc:DstOpCode:WRITE  }
.Ltmp33:
0x26f: {  	s2 =	simm.s32 @!p1 $0x3;
	(pc) =	sbr.rel @p2 .LBB2_44-.Ltmp33, $4  }
0x270: {  	s3 =	sshll.u32 @!p1 s9, $0xE;
	_ =	swait.ge @!p1 [sflag:s2], $0x42  }
0x271: {  	s4 =	sshll.u32 @!p1 s8, $0x11;
	s3 =	sadd.s32 @!p1 $0x11C3C, s3;
	[sflag:s2] =	ssyncset.done @!p1 $0x0  }
0x272: {  	[sflag:s2] =	ssyncadd.s32 @!p1 $0xFFFFFFBE;
	s2 =	sor.u32 @!p1 s4, s3  }
0x273: {  	s0 =	simm.s32 $0x0;
	[sflag:s2] =	ssyncadd.remote.s32 @!p1 $0xFFFFFFFF  }
0x274: {  	s0 =	simm.s32 $0xE419  }
0x275: {  	v0 =	vld.msk [tilespmem:s0+$0x0], $0x1;
	_ =	sdelay $0x4  }
0x276: {  	(v2sf) =	vpush v0, $0x0;
	_ =	sdelay $0xd  }
0x277: {  	s31 =	sadd.s32 $0xFFFFFFFE, s6  }
0x278: {  	s6 =	simm.s32 $0x0;
	s0 =	sadd.s32 $0xFFFFFFFF, s31;
	s2 =	spop (v2sf)  }
0x279: {  	s3 =	simm.s32 $0xE538;
	p1 =	sne.s32 s0, $0x0;
	p2 =	sgt.u32 s2, $0x4E170  }
.Ltmp34:
0x27a: {  	s4 =	simm.s32 $0xE638;
	s5 =	sand.u32 @!p2 $0x7FFF8, s2;
	(pc) =	sbr.rel @!p1 .LBB2_43-.Ltmp34, $4  }
0x27b: {  	s7 =	sadd.s32 @!p2 $0x80, s2;
	s2 =	sand.u32 @!p2 $0x7, s2;
	s6 =	simm.s32 @!p2 $0x400  }
0x27c: {  	s5 =	sadd.s32 @!p2 s1, s5;
	s7 =	sand.u32 @!p2 $0xFFFF8, s7;
	s6 =	sadd.s32 $0x0, s6  }
0x27d: {  	[hbm4b:s5+s2] =	stream.linear.scatter @!p2 [tilespmem:s3], [sflag:$0x5], $0x80, $0x38;
	[tilespmem:$0x1E678] =	vst v63  }
0x27e: {  	s5 =	simm.s32 $0xE41A;
	s3 =	simm.s32 @!p2 $0xE5B8;
	s7 =	sadd.s32 @!p2 s1, s7  }
.LBB2_42:
0x27f: {  	[hbm4b:s7+s2] =	stream.linear.scatter @!p2 [tilespmem:s3], [sflag:$0x5], $0x80, $0x38;
	[tilespmem:$0x1E678] =	vst v63  }
0x280: {  	s0 =	sadd.s32 $0xFFFFFFFF, s0;
	s3 =	smov.u32 s4;
	v0 =	vld.msk [tilespmem:s5+$0x0], $0x1  }
0x281: {  	p1 =	sne.s32 s0, $0x0;
	_ =	sdelay $0x3  }
0x282: {  	(v2sf) =	vpush v0, $0x0;
	_ =	sdelay $0xe  }
0x283: {  	s4 =	sadd.s32 $0x100, s4;
	s8 =	simm.s32 $0x0;
	s2 =	spop (v2sf)  }
.Ltmp35:
0x284: {  	s5 =	sadd.s32 $0x1, s5;
	p2 =	sgt.u32 s2, $0x4E170;
	(pc) =	sbr.rel @p1 .LBB2_42-.Ltmp35, $4  }
0x285: {  	s8 =	simm.s32 @!p2 $0x400;
	s7 =	sand.u32 @!p2 $0x7FFF8, s2;
	s9 =	sadd.s32 @!p2 $0x80, s2  }
0x286: {  	s2 =	sand.u32 @!p2 $0x7, s2;
	s7 =	sadd.s32 @!p2 s1, s7;
	s9 =	sand.u32 @!p2 $0xFFFF8, s9  }
0x287: {  	[hbm4b:s7+s2] =	stream.linear.scatter @!p2 [tilespmem:s3], [sflag:$0x5], $0x80, $0x38;
	[tilespmem:$0x1E678] =	vst v63  }
0x288: {  	s6 =	sadd.s32 s6, s8;
	s3 =	sadd.s32 @!p2 $0x80, s3;
	s7 =	sadd.s32 @!p2 s1, s9  }
.LBB2_43:
0x289: {  	[hbm4b:s7+s2] =	stream.linear.scatter @!p2 [tilespmem:s3], [sflag:$0x5], $0x80, $0x38;
	[tilespmem:$0x1E678] =	vst v63  }
0x28a: {  	s0 =	sshrl.u32 s6, $0x2  }
.LBB2_44:
0x28b: {  	s2 =	simm.s32 $0x5  }
0x28c: {  	_ =	swait.ge [sflag:s2], s0  }
0x28d: {  	s31 =	ssub.s32 $0x0, s0;
	[sflag:s2] =	ssyncset.done $0x0  }
0x28e: {  	[sflag:s2] =	ssyncadd.s32 s31  }
0x28f: {  	[sflag:s2] =	ssyncpa.u1 $0x1  }
.LBB2_45:
0x290: {  	s0 =	sor.u32 s14, s15  }
0x291: {  	p1 =	sne.s32 s0, $0x0  }
.Ltmp36:
0x292: {  	_ = 	snop;
	(pc) =	sbr.rel @p1 .LBB2_60-.Ltmp36, $3  }
0x293: {  	_ =	sdelay $0x1  }
0x294: {  	[bflag:$0x0] =	sbarrier.arrive $0xFFFF  }
0x295: {  	_ =	sfence  }
0x296: {  	s0 =	simm.s32 $0x7  }
0x297: {  	s2 =	simm.s32 $0x2000;
	s3 =	simm.s32 $0xE418;
	[sflag:s0] =	ssyncpa.u1 $0x0  }
0x298: {  	[tilespmem:s3], [sflag:$0x7] =	stream.linear.gather [spmem:s2], $0x20, $0x38;
	[tilespmem:$0x1E678] =	vst v63  }
0x299: {  	s30 =	simm.s32 $0xE438;
	s2 =	simm.s32 $0x0  }
0x29a: {  	[tilespmem:s30], [sflag:$0x7] =	stream.linear.gather [spmem:s2], $0x2000, $0x38;
	[tilespmem:$0x1E678] =	vst v63  }
.Ltmp37:
0x29b: {  	_ = 	snop;
	(pc) =	sbr.rel .LBB2_47-.Ltmp37, $4  }
0x29c: {  	_ =	swait.ge [sflag:s0], $0x2020  }
0x29d: {  	[sflag:s0] =	ssyncset.done $0x0  }
0x29e: {  	s31 =	simm.s32 $0x8;
	[sflag:s0] =	ssyncadd.s32 $0xFFFFDFE0  }
0x29f: {  	s3 =	simm.s32 $0x0;
	[sflag:s31] =	ssyncpa.u1 $0x0  }
.LBB2_53:
0x2a0: {  	p1 =	slt.u32 s0, $0x4E171  }
0x2a1: {  	s4 =	sand.u32 @p1 $0x7FFF8, s0;
	s5 =	sand.u32 @p1 $0x7, s0;
	s0 =	sadd.s32 @p1 $0x80, s0  }
0x2a2: {  	s6 =	simm.s32 @p1 $0xE308;
	s4 =	sadd.s32 @p1 s1, s4;
	s0 =	sand.u32 @p1 $0xFFFF8, s0  }
0x2a3: {  	[tilespmem:s6], [sflag:$0x8] =	stream.linear.gather @p1 [hbm4b:s4+s5], $0x80, $0x38;
	[tilespmem:$0x1E678] =	vst v63  }
0x2a4: {  	s0 =	sadd.s32 @p1 s1, s0;
	s4 =	simm.s32 @p1 $0xE388  }
0x2a5: {  	[tilespmem:s4], [sflag:$0x8] =	stream.linear.gather @p1 [hbm4b:s0+s5], $0x80, $0x38;
	[tilespmem:$0x1E678] =	vst v63  }
0x2a6: {  	s0 =	simm.s32 @p1 $0x8  }
0x2a7: {  	_ =	swait.ge @p1 [sflag:s0], $0x100  }
0x2a8: {  	[sflag:s0] =	ssyncset.done @p1 $0x0  }
0x2a9: {  	[sflag:s0] =	ssyncadd.s32 @p1 $0xFFFFFF00  }
0x2aa: {  	v1 =	vld @p1 [tilespmem:$0xE308];
	_ =	sdelay $0x2  }
0x2ab: {  	s0 =	sshll.u32 @p1 s3, $0xA  }
0x2ac: {  	s4 =	sshrl.u32 @p1 s0, $0x2  }
0x2ad: {  	[tilespmem:s4+$0xE438] =	vst.add.f32.msk @p1 $0xffff, v1  }
0x2ae: {  	v1 =	vld @p1 [tilespmem:$0xE318];
	_ =	sdelay $0x4  }
0x2af: {  	[tilespmem:s4+$0xE448] =	vst.add.f32.msk @p1 $0xffff, v1  }
0x2b0: {  	v1 =	vld @p1 [tilespmem:$0xE328];
	_ =	sdelay $0x4  }
0x2b1: {  	[tilespmem:s4+$0xE458] =	vst.add.f32.msk @p1 $0xffff, v1  }
0x2b2: {  	v1 =	vld @p1 [tilespmem:$0xE338];
	_ =	sdelay $0x4  }
0x2b3: {  	[tilespmem:s4+$0xE468] =	vst.add.f32.msk @p1 $0xffff, v1  }
0x2b4: {  	v1 =	vld @p1 [tilespmem:$0xE348];
	_ =	sdelay $0x4  }
0x2b5: {  	[tilespmem:s4+$0xE478] =	vst.add.f32.msk @p1 $0xffff, v1  }
0x2b6: {  	v1 =	vld @p1 [tilespmem:$0xE358];
	_ =	sdelay $0x4  }
0x2b7: {  	[tilespmem:s4+$0xE488] =	vst.add.f32.msk @p1 $0xffff, v1  }
0x2b8: {  	v1 =	vld @p1 [tilespmem:$0xE368];
	_ =	sdelay $0x4  }
0x2b9: {  	[tilespmem:s4+$0xE498] =	vst.add.f32.msk @p1 $0xffff, v1  }
0x2ba: {  	v1 =	vld @p1 [tilespmem:$0xE378];
	_ =	sdelay $0x4  }
0x2bb: {  	[tilespmem:s4+$0xE4A8] =	vst.add.f32.msk @p1 $0xffff, v1  }
0x2bc: {  	v1 =	vld @p1 [tilespmem:$0xE388];
	_ =	sdelay $0x4  }
0x2bd: {  	[tilespmem:s4+$0xE4B8] =	vst.add.f32.msk @p1 $0xffff, v1  }
0x2be: {  	v1 =	vld @p1 [tilespmem:$0xE398];
	_ =	sdelay $0x4  }
0x2bf: {  	[tilespmem:s4+$0xE4C8] =	vst.add.f32.msk @p1 $0xffff, v1  }
0x2c0: {  	v1 =	vld @p1 [tilespmem:$0xE3A8];
	_ =	sdelay $0x4  }
0x2c1: {  	[tilespmem:s4+$0xE4D8] =	vst.add.f32.msk @p1 $0xffff, v1  }
0x2c2: {  	v1 =	vld @p1 [tilespmem:$0xE3B8];
	_ =	sdelay $0x4  }
0x2c3: {  	[tilespmem:s4+$0xE4E8] =	vst.add.f32.msk @p1 $0xffff, v1  }
0x2c4: {  	v1 =	vld @p1 [tilespmem:$0xE3C8];
	_ =	sdelay $0x4  }
0x2c5: {  	[tilespmem:s4+$0xE4F8] =	vst.add.f32.msk @p1 $0xffff, v1  }
0x2c6: {  	v1 =	vld @p1 [tilespmem:$0xE3D8];
	_ =	sdelay $0x4  }
0x2c7: {  	[tilespmem:s4+$0xE508] =	vst.add.f32.msk @p1 $0xffff, v1  }
0x2c8: {  	v1 =	vld @p1 [tilespmem:$0xE3E8];
	_ =	sdelay $0x4  }
0x2c9: {  	[tilespmem:s4+$0xE518] =	vst.add.f32.msk @p1 $0xffff, v1  }
0x2ca: {  	v1 =	vld @p1 [tilespmem:$0xE3F8];
	_ =	sdelay $0x3  }
0x2cb: {  	s5 =	sshll.u32 @!p1 s3, $0xA  }
0x2cc: {  	s5 =	smov.u32 @p1 s0;
	[tilespmem:s4+$0xE528] =	vst.add.f32.msk @p1 $0xffff, v1  }
0x2cd: {  	s0 =	sshrl.u32 s5, $0x2;
	[tilespmem:s2+$0xE418] =	vst.msk $0x1, v0  }
0x2ce: {  	v0 =	vld [tilespmem:s0+$0xE438];
	_ =	sdelay $0x2  }
0x2cf: {  	s31 =	sshll.u32 s2, $0xA  }
0x2d0: {  	s4 =	sshra.s32 s31, $0x2  }
0x2d1: {  	[tilespmem:s4+$0xE438] =	vst v0  }
0x2d2: {  	v0 =	vld [tilespmem:s0+$0xE448];
	_ =	sdelay $0x4  }
0x2d3: {  	[tilespmem:s4+$0xE448] =	vst v0  }
0x2d4: {  	v0 =	vld [tilespmem:s0+$0xE458];
	_ =	sdelay $0x4  }
0x2d5: {  	[tilespmem:s4+$0xE458] =	vst v0  }
0x2d6: {  	v0 =	vld [tilespmem:s0+$0xE468];
	_ =	sdelay $0x4  }
0x2d7: {  	[tilespmem:s4+$0xE468] =	vst v0  }
0x2d8: {  	v0 =	vld [tilespmem:s0+$0xE478];
	_ =	sdelay $0x4  }
0x2d9: {  	[tilespmem:s4+$0xE478] =	vst v0  }
0x2da: {  	v0 =	vld [tilespmem:s0+$0xE488];
	_ =	sdelay $0x4  }
0x2db: {  	[tilespmem:s4+$0xE488] =	vst v0  }
0x2dc: {  	v0 =	vld [tilespmem:s0+$0xE498];
	_ =	sdelay $0x4  }
0x2dd: {  	[tilespmem:s4+$0xE498] =	vst v0  }
0x2de: {  	v0 =	vld [tilespmem:s0+$0xE4A8];
	_ =	sdelay $0x4  }
0x2df: {  	[tilespmem:s4+$0xE4A8] =	vst v0  }
0x2e0: {  	v0 =	vld [tilespmem:s0+$0xE4B8];
	_ =	sdelay $0x4  }
0x2e1: {  	[tilespmem:s4+$0xE4B8] =	vst v0  }
0x2e2: {  	v0 =	vld [tilespmem:s0+$0xE4C8];
	_ =	sdelay $0x4  }
0x2e3: {  	[tilespmem:s4+$0xE4C8] =	vst v0  }
0x2e4: {  	v0 =	vld [tilespmem:s0+$0xE4D8];
	_ =	sdelay $0x4  }
0x2e5: {  	[tilespmem:s4+$0xE4D8] =	vst v0  }
0x2e6: {  	v0 =	vld [tilespmem:s0+$0xE4E8];
	_ =	sdelay $0x4  }
0x2e7: {  	[tilespmem:s4+$0xE4E8] =	vst v0  }
0x2e8: {  	v0 =	vld [tilespmem:s0+$0xE4F8];
	_ =	sdelay $0x4  }
0x2e9: {  	[tilespmem:s4+$0xE4F8] =	vst v0  }
0x2ea: {  	v0 =	vld [tilespmem:s0+$0xE508];
	_ =	sdelay $0x4  }
0x2eb: {  	[tilespmem:s4+$0xE508] =	vst v0  }
0x2ec: {  	v0 =	vld [tilespmem:s0+$0xE518];
	_ =	sdelay $0x4  }
0x2ed: {  	[tilespmem:s4+$0xE518] =	vst v0  }
0x2ee: {  	v0 =	vld [tilespmem:s0+$0xE528];
	_ =	sdelay $0x4  }
0x2ef: {  	s2 =	sadd.s32 $0x1, s2;
	[tilespmem:s4+$0xE528] =	vst v0  }
.LBB2_54:
0x2f0: {  	s3 =	sadd.s32 $0x1, s3  }
0x2f1: {  	p1 =	sne.s32 s3, $0x20  }
.Ltmp38:
0x2f2: {  	_ = 	snop;
	(pc) =	sbr.rel @!p1 .LBB2_55-.Ltmp38, $1  }
0x2f3: {  	_ =	sdelay $0x3  }
.LBB2_47:
0x2f4: {  	v0 =	vld.msk [tilespmem:s3+$0xE418], $0x1;
	_ =	sdelay $0x4  }
0x2f5: {  	(v2sf) =	vpush v0, $0x0;
	_ =	sdelay $0xe  }
0x2f6: {  	s0 =	spop (v2sf)  }
0x2f7: {  	p1 =	seq.s32 s0, $0xFFFFFFFF  }
.Ltmp39:
0x2f8: {  	_ = 	snop;
	(pc) =	sbr.rel @p1 .LBB2_54-.Ltmp39, $1  }
0x2f9: {  	_ =	sdelay $0x3  }
0x2fa: {  	p1 =	slt.s32 s2, $0x1  }
.Ltmp40:
0x2fb: {  	_ = 	snop;
	(pc) =	sbr.rel @p1 .LBB2_53-.Ltmp40, $1  }
0x2fc: {  	_ =	sdelay $0x3  }
0x2fd: {  	s4 =	simm.s32 $0xE418;
	p1 =	por $0x0, $0x0  }
0x2fe: {  	v1 =	vld.msk @!p1 [tilespmem:s4+$0x0], $0x1;
	_ =	sdelay $0x4  }
0x2ff: {  	(v2sf) =	vpush @!p1 v1, $0x0;
	_ =	sdelay $0xd  }
0x300: {  	p3 =	sne.s32 s2, $0x1  }
.Ltmp41:
0x301: {  	s5 =	spop @!p1 (v2sf);
	(pc) =	sbr.rel @!p3 .LBB2_51-.Ltmp41, $4  }
0x302: {  	p2 =	seq.s32 @!p1 s0, s5  }
0x303: {  	s5 =	simm.s32 $0x0;
	p2 =	por !p2, p1  }
0x304: {  	s7 =	simm.s32 $0xFFFFFFFF;
	s5 =	simm.s32 @p2 $0xFFFFFFFF  }
0x305: {  	s6 =	simm.s32 $0x1;
	s5 =	smov.u32 @p1 s7  }
.LBB2_50:
0x306: {  	s7 =	smov.u32 s5;
	p1 =	sne.s32 s5, $0xFFFFFFFF  }
0x307: {  	s4 =	sadd.s32 $0x1, s4;
	s5 =	smov.u32 s6;
	s6 =	sadd.s32 $0x1, s6  }
0x308: {  	p2 =	sne.s32 s2, s6;
	v1 =	vld.msk @!p1 [tilespmem:s4+$0x0], $0x1;
	_ =	sdelay $0x4  }
0x309: {  	(v2sf) =	vpush @!p1 v1, $0x0;
	_ =	sdelay $0xe  }
.Ltmp42:
0x30a: {  	s8 =	spop @!p1 (v2sf);
	(pc) =	sbr.rel @p2 .LBB2_50-.Ltmp42, $4  }
0x30b: {  	p3 =	seq.s32 @!p1 s0, s8  }
0x30c: {  	p3 =	por !p3, p1  }
0x30d: {  	s5 =	simm.s32 @p3 $0xFFFFFFFF  }
0x30e: {  	s5 =	smov.u32 @p1 s7  }
.LBB2_51:
0x30f: {  	p1 =	seq.s32 s5, $0xFFFFFFFF  }
.Ltmp43:
0x310: {  	_ = 	snop;
	(pc) =	sbr.rel @p1 .LBB2_53-.Ltmp43, $1  }
0x311: {  	_ =	sdelay $0x3  }
0x312: {  	s0 =	sshll.u32 s3, $0x8  }
0x313: {  	s0 =	sand.u32 $0x3FFFFF00, s0  }
0x314: {  	v0 =	vld [tilespmem:s0+$0xE438];
	_ =	sdelay $0x2  }
0x315: {  	s4 =	sshll.u32 s5, $0xA  }
0x316: {  	s4 =	sshra.s32 s4, $0x2  }
0x317: {  	[tilespmem:s4+$0xE438] =	vst.add.f32.msk $0xffff, v0  }
0x318: {  	v0 =	vld [tilespmem:s0+$0xE448];
	_ =	sdelay $0x4  }
0x319: {  	[tilespmem:s4+$0xE448] =	vst.add.f32.msk $0xffff, v0  }
0x31a: {  	v0 =	vld [tilespmem:s0+$0xE458];
	_ =	sdelay $0x4  }
0x31b: {  	[tilespmem:s4+$0xE458] =	vst.add.f32.msk $0xffff, v0  }
0x31c: {  	v0 =	vld [tilespmem:s0+$0xE468];
	_ =	sdelay $0x4  }
0x31d: {  	[tilespmem:s4+$0xE468] =	vst.add.f32.msk $0xffff, v0  }
0x31e: {  	v0 =	vld [tilespmem:s0+$0xE478];
	_ =	sdelay $0x4  }
0x31f: {  	[tilespmem:s4+$0xE478] =	vst.add.f32.msk $0xffff, v0  }
0x320: {  	v0 =	vld [tilespmem:s0+$0xE488];
	_ =	sdelay $0x4  }
0x321: {  	[tilespmem:s4+$0xE488] =	vst.add.f32.msk $0xffff, v0  }
0x322: {  	v0 =	vld [tilespmem:s0+$0xE498];
	_ =	sdelay $0x4  }
0x323: {  	[tilespmem:s4+$0xE498] =	vst.add.f32.msk $0xffff, v0  }
0x324: {  	v0 =	vld [tilespmem:s0+$0xE4A8];
	_ =	sdelay $0x4  }
0x325: {  	[tilespmem:s4+$0xE4A8] =	vst.add.f32.msk $0xffff, v0  }
0x326: {  	v0 =	vld [tilespmem:s0+$0xE4B8];
	_ =	sdelay $0x4  }
0x327: {  	[tilespmem:s4+$0xE4B8] =	vst.add.f32.msk $0xffff, v0  }
0x328: {  	v0 =	vld [tilespmem:s0+$0xE4C8];
	_ =	sdelay $0x4  }
0x329: {  	[tilespmem:s4+$0xE4C8] =	vst.add.f32.msk $0xffff, v0  }
0x32a: {  	v0 =	vld [tilespmem:s0+$0xE4D8];
	_ =	sdelay $0x4  }
0x32b: {  	[tilespmem:s4+$0xE4D8] =	vst.add.f32.msk $0xffff, v0  }
0x32c: {  	v0 =	vld [tilespmem:s0+$0xE4E8];
	_ =	sdelay $0x4  }
0x32d: {  	[tilespmem:s4+$0xE4E8] =	vst.add.f32.msk $0xffff, v0  }
0x32e: {  	v0 =	vld [tilespmem:s0+$0xE4F8];
	_ =	sdelay $0x4  }
0x32f: {  	[tilespmem:s4+$0xE4F8] =	vst.add.f32.msk $0xffff, v0  }
0x330: {  	v0 =	vld [tilespmem:s0+$0xE508];
	_ =	sdelay $0x4  }
0x331: {  	[tilespmem:s4+$0xE508] =	vst.add.f32.msk $0xffff, v0  }
0x332: {  	v0 =	vld [tilespmem:s0+$0xE518];
	_ =	sdelay $0x4  }
0x333: {  	[tilespmem:s4+$0xE518] =	vst.add.f32.msk $0xffff, v0  }
0x334: {  	v0 =	vld [tilespmem:s0+$0xE528]  }
.Ltmp44:
0x335: {  	_ = 	snop;
	(pc) =	sbr.rel .LBB2_54-.Ltmp44, $2  }
0x336: {  	_ =	sdelay $0x2  }
0x337: {  	[tilespmem:s4+$0xE528] =	vst.add.f32.msk $0xffff, v0  }
.LBB2_55:
0x338: {  	p1 =	slt.s32 s2, $0x1  }
.Ltmp45:
0x339: {  	_ = 	snop;
	(pc) =	sbr.rel @p1 .LBB2_59-.Ltmp45, $3  }
0x33a: {  	_ =	sdelay $0x1  }
0x33b: {  	s0 =	simm.s32 $0x8  }
0x33c: {  	s4 =	simm.s32 $0x0;
	[sflag:s0] =	ssyncpa.u1 $0x1  }
0x33d: {  	s0 =	simm.s32 $0xE418  }
0x33e: {  	v0 =	vld.msk [tilespmem:s0+$0x0], $0x1;
	_ =	sdelay $0x4  }
0x33f: {  	(v2sf) =	vpush v0, $0x0;
	_ =	sdelay $0xe  }
0x340: {  	s0 =	sadd.s32 $0xFFFFFFFF, s2;
	s3 =	spop (v2sf)  }
0x341: {  	s6 =	simm.s32 $0xE438;
	p1 =	sne.s32 s0, $0x0;
	p2 =	sgt.u32 s3, $0x4E170  }
.Ltmp46:
0x342: {  	s2 =	simm.s32 $0xE538;
	s5 =	sand.u32 @!p2 $0x7FFF8, s3;
	(pc) =	sbr.rel @!p1 .LBB2_58-.Ltmp46, $4  }
0x343: {  	s7 =	sadd.s32 @!p2 $0x80, s3;
	s4 =	simm.s32 @!p2 $0x400;
	s8 =	sadd.s32 @!p2 s1, s5  }
0x344: {  	s5 =	sand.u32 @!p2 $0x7, s3;
	s3 =	simm.s32 $0xE419;
	s7 =	sand.u32 @!p2 $0xFFFF8, s7  }
0x345: {  	[hbm4b:s8+s5] =	stream.linear.scatter @!p2 [tilespmem:s6], [sflag:$0x7], $0x80, $0x38;
	[tilespmem:$0x1E678] =	vst v63  }
0x346: {  	s4 =	sadd.s32 $0x0, s4;
	s6 =	simm.s32 @!p2 $0xE4B8;
	s7 =	sadd.s32 @!p2 s1, s7  }
.LBB2_57:
0x347: {  	[hbm4b:s7+s5] =	stream.linear.scatter @!p2 [tilespmem:s6], [sflag:$0x7], $0x80, $0x38;
	[tilespmem:$0x1E678] =	vst v63  }
0x348: {  	s0 =	sadd.s32 $0xFFFFFFFF, s0;
	s6 =	smov.u32 s2;
	v0 =	vld.msk [tilespmem:s3+$0x0], $0x1  }
0x349: {  	p1 =	sne.s32 s0, $0x0;
	_ =	sdelay $0x3  }
0x34a: {  	(v2sf) =	vpush v0, $0x0;
	_ =	sdelay $0xe  }
0x34b: {  	s2 =	sadd.s32 $0x100, s2;
	s8 =	simm.s32 $0x0;
	s5 =	spop (v2sf)  }
.Ltmp47:
0x34c: {  	s3 =	sadd.s32 $0x1, s3;
	p2 =	sgt.u32 s5, $0x4E170;
	(pc) =	sbr.rel @p1 .LBB2_57-.Ltmp47, $4  }
0x34d: {  	s8 =	simm.s32 @!p2 $0x400;
	s7 =	sand.u32 @!p2 $0x7FFF8, s5;
	s9 =	sadd.s32 @!p2 $0x80, s5  }
0x34e: {  	s5 =	sand.u32 @!p2 $0x7, s5;
	s7 =	sadd.s32 @!p2 s1, s7;
	s9 =	sand.u32 @!p2 $0xFFFF8, s9  }
0x34f: {  	[hbm4b:s7+s5] =	stream.linear.scatter @!p2 [tilespmem:s6], [sflag:$0x7], $0x80, $0x38;
	[tilespmem:$0x1E678] =	vst v63  }
0x350: {  	s4 =	sadd.s32 s4, s8;
	s6 =	sadd.s32 @!p2 $0x80, s6;
	s7 =	sadd.s32 @!p2 s1, s9  }
.LBB2_58:
0x351: {  	[hbm4b:s7+s5] =	stream.linear.scatter @!p2 [tilespmem:s6], [sflag:$0x7], $0x80, $0x38;
	[tilespmem:$0x1E678] =	vst v63  }
0x352: {  	s4 =	sshrl.u32 s4, $0x2  }
.LBB2_59:
0x353: {  	s0 =	simm.s32 $0x7  }
0x354: {  	_ =	swait.ge [sflag:s0], s4  }
0x355: {  	s1 =	ssub.s32 $0x0, s4;
	[sflag:s0] =	ssyncset.done $0x0  }
0x356: {  	[sflag:s0] =	ssyncadd.s32 s1  }
0x357: {  	[sflag:s0] =	ssyncpa.u1 $0x1  }
.LBB2_60:
0x358: {  	_ =	sfence;
	s0 =	simm.s32 $0x1  }
0x359: {  	[sflag:s0] =	ssyncpa.u1 $0x1  }
0x35a: {  	_ =	strace $0x9000004A  }
0x35b: {  	[bflag:$0x2] =	sbarrier.arrive $0xFFFF  }
0x35c: {  	s0 =	rddreg [dreg:$0x4]  }
0x35d: {  	s0 =	sadd.s32 @!p0 $0x100000, s0  }
0x35e: {  	[sflag:s0] =	ssyncadd.tile.s32 @!p0 $0x1;
	_ =	shalt  }
.Lfunc_end2:
_tile_overlayer_lowered:
.L_overlay_start_2:
0x35f: {  	(tag) =	ssettag $0x2  }
0x360: {  	s0 =	rddreg [dreg:$0x0];
	s2 =	stileid.u32  }
0x361: {  	s1 =	rddreg [dreg:$0x1];
	p0 =	sne.s32 s2, $0x0  }
0x362: {  	s3 =	rddreg [dreg:$0x2];
	[bflag:$0x3] =	sbarrier.arrive $0xFFFF;
	s2 =	simm.s32 @!p0 $0x1C01  }
0x363: {  	[timem:s3], [sflag:s2] =	dma.local @!p0 [hbm:s0], s1  }
0x364: {  	s0 =	simm.s32 @!p0 $0x1  }
0x365: {  	_ =	swait.ge @!p0 [sflag:s0], s1  }
0x366: {  	s1 =	ssub.s32 @!p0 $0x0, s1;
	[sflag:s0] =	ssyncset.done @!p0 $0x0  }
0x367: {  	[sflag:s0] =	ssyncadd.s32 @!p0 s1  }
0x368: {  	[bflag:$0x3] =	sbarrier.arrive $0xFFFF  }
0x369: {  	_ =	shalt  }

// kernel: scatter_offload_async_start
scs
__scs_entry_jumppad:
0x0: {  	(pc) =	sbr.rel $0x88, $3  }
0x1: {  	(tag) =	ssettag $0x0;
	lr =	simm.s32 $0x1  }
0x2: {  	[smem:$0x3F9B] =	sst lr;
	_ =	strace $0xD0000000  }
0x3: {  	_ = 	snop  }
0x4: {  	_ = 	snop  }
0x5: {  	_ = 	snop  }
0x6: {  	_ = 	snop  }
0x7: {  	_ = 	snop  }
__scs_overlays_trampoline_lowered:
0x8: {  	[smem:$0x3FAA] =	sst s0  }
0x9: {  	[smem:$0x3FAB] =	sst s1  }
0xa: {  	[smem:$0x3FAC] =	sst s2  }
0xb: {  	[smem:$0x3FAD] =	sst s3  }
0xc: {  	[smem:$0x3FAE] =	sst s4  }
0xd: {  	[smem:$0x3FAF] =	sst s5  }
0xe: {  	[smem:$0x3FB0] =	sst s6  }
0xf: {  	[smem:$0x3FB1] =	sst s7  }
0x10: {  	[smem:$0x3FB2] =	sst s8  }
0x11: {  	[smem:$0x3FB3] =	sst s9;
	s0 =	simm.s32 @!p0 $0x0  }
0x12: {  	s1 =	sld [smem:$0x3F99];
	s0 =	simm.s32 @p0 $0x1  }
0x13: {  	[smem:$0x3FB4] =	sst s0;
	s0 =	simm.s32 @!p1 $0x0  }
0x14: {  	s2 =	sld [smem:$0x3F98];
	s0 =	simm.s32 @p1 $0x1  }
0x15: {  	[smem:$0x3FB5] =	sst s0;
	s0 =	simm.s32 @!p2 $0x0  }
0x16: {  	s3 =	sld [smem:$0x3FDB];
	s0 =	simm.s32 @p2 $0x1  }
0x17: {  	s4 =	simm.s32 $0x1BF5;
	[smem:$0x3FB7] =	sst s0  }
0x18: {  	s0 =	sld [smem:$0x3F9A];
	_ =	swait.ge [sflag:s4], $0x0  }
0x19: {  	s7 =	sld [smem:$0x3F9B]  }
0x1a: {  	s8 =	sadd.s32 $0xFFFFE003, lr  }
0x1b: {  	s9 =	sadd.s32 $0xFFFFFEF7, lr;
	s5 =	simm.s32 $0xFFFFFFFF;
	p2 =	slt.u32 s8, $0xFFFFF086  }
0x1c: {  	p1 =	slt.u32 s9, $0xF7A;
	s5 =	simm.s32 @!p2 $0x0  }
0x1d: {  	s5 =	simm.s32 @p1 $0x1;
	p0 =	seq.s32 s7, s2  }
0x1e: {  	s7 =	smul.u32 @!p0 $0xF7A, s2;
	p2 =	seq.s32 @!p0 s5, $0x0  }
0x1f: {  	s9 =	smul.u32 $0xF7A, s1;
	s8 =	simm.s32 @!p0 $0x1BF5;
	p2 =	por !p2, p0  }
0x20: {  	[sflag:s8] =	ssyncset.s32 @!p0 $0xFFFFF086;
	s6 =	sadd.s32 @!p0 s3, s7;
	s7 =	simm.s32 @!p0 $0x108  }
0x21: {  	s3 =	sadd.s32 s3, s9;
	s6 =	sadd.s32 @!p0 $0x88, s6;
	s7 =	simm.s32 @p2 $0x1082  }
0x22: {  	[simem:s7], [sflag:s8] =	dma.local @!p0 [hbm:s6], $0xF7A  }
0x23: {  	s9 =	sor.u32 $0xD0000000, s2;
	s6 =	simm.s32 $0x108;
	_ =	swait.ge @!p0 [sflag:s8], $0x0  }
0x24: {  	s3 =	sadd.s32 $0x88, s3;
	s6 =	simm.s32 @!p1 $0x1082;
	[sflag:s4] =	ssyncset.s32 $0xFFFFF086  }
0x25: {  	[simem:s6], [sflag:s4] =	dma.local [hbm:s3], $0xF7A  }
0x26: {  	[smem:$0x3F9B] =	sst s1;
	(tag) =	ssettag s2;
	_ =	strace s9  }
0x27: {  	s1 =	sld [smem:$0x3FAB]  }
0x28: {  	s2 =	sld [smem:$0x3FAC]  }
0x29: {  	s4 =	sld [smem:$0x3FAE]  }
0x2a: {  	p0 =	seq.s32 s5, $0x0;
	s5 =	sld [smem:$0x3FAF]  }
0x2b: {  	s6 =	sld [smem:$0x3FB0]  }
0x2c: {  	s7 =	sld [smem:$0x3FB1]  }
0x2d: {  	s3 =	simm.s32 $0x108;
	s8 =	sld [smem:$0x3FB2]  }
0x2e: {  	s3 =	simm.s32 @!p0 $0x1082;
	s9 =	sld [smem:$0x3FB3]  }
0x2f: {  	lr =	sadd.s32 s0, s3;
	s0 =	sld [smem:$0x3FAA]  }
0x30: {  	s3 =	sld [smem:$0x3FAD]  }
0x31: {  	[smem:$0x3FB6] =	sst s10  }
0x32: {  	s10 =	sld [smem:$0x3FB4];
	_ =	sdelay $0x3  }
0x33: {  	p0 =	seq.s32 s10, $0x1;
	s10 =	sld [smem:$0x3FB6];
	_ =	sdelay $0x3  }
0x34: {  	[smem:$0x3FB6] =	sst s10  }
0x35: {  	s10 =	sld [smem:$0x3FB5];
	_ =	sdelay $0x3  }
0x36: {  	p1 =	seq.s32 s10, $0x1;
	s10 =	sld [smem:$0x3FB6];
	_ =	sdelay $0x3  }
0x37: {  	[smem:$0x3FB6] =	sst s10  }
0x38: {  	s10 =	sld [smem:$0x3FB7]  }
0x39: {  	_ = 	snop;
	(pc) =	sbr.ind lr, $3  }
0x3a: {  	_ = 	snop  }
0x3b: {  	_ = 	snop  }
0x3c: {  	p2 =	seq.s32 s10, $0x1;
	s10 =	sld [smem:$0x3FB6]  }
0x3d: {  	_ =	shalt  }
0x3e: {  	_ =	shalt  }
0x3f: {  	_ =	shalt  }
0x40: {  	_ =	shalt  }
0x41: {  	_ =	shalt  }
0x42: {  	_ =	shalt  }
0x43: {  	_ =	shalt  }
0x44: {  	_ =	shalt  }
0x45: {  	_ =	shalt  }
0x46: {  	_ =	shalt  }
0x47: {  	_ =	shalt  }
0x48: {  	_ =	shalt  }
0x49: {  	_ =	shalt  }
0x4a: {  	_ =	shalt  }
0x4b: {  	_ =	shalt  }
0x4c: {  	_ =	shalt  }
0x4d: {  	_ =	shalt  }
0x4e: {  	_ =	shalt  }
0x4f: {  	_ =	shalt  }
0x50: {  	_ =	shalt  }
0x51: {  	_ =	shalt  }
0x52: {  	_ =	shalt  }
0x53: {  	_ =	shalt  }
0x54: {  	_ =	shalt  }
0x55: {  	_ =	shalt  }
0x56: {  	_ =	shalt  }
0x57: {  	_ =	shalt  }
0x58: {  	_ =	shalt  }
0x59: {  	_ =	shalt  }
0x5a: {  	_ =	shalt  }
0x5b: {  	_ =	shalt  }
0x5c: {  	_ =	shalt  }
0x5d: {  	_ =	shalt  }
0x5e: {  	_ =	shalt  }
0x5f: {  	_ =	shalt  }
0x60: {  	_ =	shalt  }
0x61: {  	_ =	shalt  }
0x62: {  	_ =	shalt  }
0x63: {  	_ =	shalt  }
0x64: {  	_ =	shalt  }
0x65: {  	_ =	shalt  }
0x66: {  	_ =	shalt  }
0x67: {  	_ =	shalt  }
0x68: {  	_ =	shalt  }
0x69: {  	_ =	shalt  }
0x6a: {  	_ =	shalt  }
0x6b: {  	_ =	shalt  }
0x6c: {  	_ =	shalt  }
0x6d: {  	_ =	shalt  }
0x6e: {  	_ =	shalt  }
0x6f: {  	_ =	shalt  }
0x70: {  	_ =	shalt  }
0x71: {  	_ =	shalt  }
0x72: {  	_ =	shalt  }
0x73: {  	_ =	shalt  }
0x74: {  	_ =	shalt  }
0x75: {  	_ =	shalt  }
0x76: {  	_ =	shalt  }
0x77: {  	_ =	shalt  }
0x78: {  	_ =	shalt  }
0x79: {  	_ =	shalt  }
0x7a: {  	_ =	shalt  }
0x7b: {  	_ =	shalt  }
0x7c: {  	_ =	shalt  }
0x7d: {  	_ =	shalt  }
0x7e: {  	_ =	shalt  }
0x7f: {  	_ =	shalt  }
0x80: {  	_ =	shalt  }
0x81: {  	_ =	shalt  }
0x82: {  	_ =	shalt  }
0x83: {  	_ =	shalt  }
0x84: {  	_ =	shalt  }
0x85: {  	_ =	shalt  }
0x86: {  	_ =	shalt  }
0x87: {  	_ =	shalt  }
.Lfunc_end0:
.L_simem_size_0:
called_computation_lowered:
.L_overlay_start_0:
0x88: {  	s2 =	sld [smem:$0x3FD9]  }
0x89: {  	s3 =	sld [smem:$0x3FFE];
	_ =	sdelay $0x1  }
0x8a: {  	s1 =	srdreg.scid  }
0x8b: {  	s0 =	sand.u32 $0x1, s1  }
0x8c: {  	s15 =	sshll.u32 s0, $0xA;
	s2 =	sadd.s32 s3, s2  }
0x8d: {  	s2 =	sadd.s32 s2, s15  }
0x8e: {  	[smem:$0x3FC2] =	sst s2  }
0x8f: {  	_ = 	snop  }
0x90: {  	(tm) =	ssettm $0x1  }
0x91: {  	s16 =	sld [smem:$0x3FFB];
	_ =	sdelay $0x3  }
0x92: {  	_ =	strace s16  }
0x93: {  	s2 =	sld [smem:$0x3FFC];
	_ =	sdelay $0x3  }
0x94: {  	_ =	strace s2  }
0x95: {  	s2 =	sld [smem:$0x3FFD];
	_ =	sdelay $0x3  }
0x96: {  	_ =	strace s2  }
0x97: {  	_ =	strace $0x8FFFFFFF  }
0x98: {  	s17 =	sld [smem:$0x3FDB];
	_ =	sdelay $0x1  }
0x99: {  	s18 =	simm.s32 $_scs_section_size  }
0x9a: {  	s4 =	simm.s32 $_size__tile_overlayer_lowered;
	s5 =	simm.s32 $_tile_overlayer_lowered  }
0x9b: {  	s21 =	simm.s32 $0x1BFF;
	s20 =	sshll.u32 s5, $0x1;
	s2 =	sadd.s32 s18, s17  }
0x9c: {  	s6 =	simm.s32 $0x0;
	s19 =	sshll.u32 s4, $0x1;
	s4 =	sadd.s32 s20, s2  }
0x9d: {  	[timem:s6], [sflag:s21] =	dma.local [hbm:s4], s19  }
0x9e: {  	_ =	swait.ge [sflag:s21], s19  }
0x9f: {  	s3 =	ssub.s32 $0x0, s19;
	[sflag:s21] =	ssyncset.done $0x0  }
0xa0: {  	[sflag:s21] =	ssyncadd.s32 s3;
	_ =	sdelay $0x1  }
0xa1: {  	s22 =	simm.s32 $0x1B8B  }
0xa2: {  	_ =	swait.ge [sflag:s22], $0x1  }
0xa3: {  	[sflag:s22] =	ssyncset.done $0x0  }
0xa4: {  	s23 =	sld [smem:$0x3FFE];
	[sflag:s22] =	ssyncadd.s32 $0xFFFFFFFF  }
0xa5: {  	s25 =	simm.s32 $0x1B8E;
	s24 =	sld [smem:$0x0]  }
0xa6: {  	s26 =	simm.s32 $execute0_lowered;
	[smem:$0x3FD2] =	sst s25  }
0xa7: {  	s5 =	sshll.u32 s26, $0x1;
	_ =	strace $0x80000046;
	[dreg:$0x1] =	wrdreg $0xFFFFFFFF  }
0xa8: {  	s28 =	simm.s32 $_size_execute0_lowered;
	s2 =	sadd.s32 s2, s5;
	[dreg:$0x0] =	wrdreg $0x0  }
0xa9: {  	s5 =	sshll.u32 s28, $0x1;
	[dreg:$0x2] =	wrdreg s2  }
0xaa: {  	[dreg:$0x3] =	wrdreg s5  }
0xab: {  	[dreg:$0x4] =	wrdreg $0xC0  }
0xac: {  	_ =	task [dreg:s6], $0x5FFFF  }
0xad: {  	[dreg:$0x1] =	wrdreg $0xFFFFFFFF  }
0xae: {  	[dreg:$0x0] =	wrdreg $0x60  }
0xaf: {  	[dreg:$0x2] =	wrdreg s23  }
0xb0: {  	[dreg:$0x3] =	wrdreg s1  }
0xb1: {  	[dreg:$0x4] =	wrdreg s24  }
0xb2: {  	[dreg:$0x5] =	wrdreg $0x9  }
0xb3: {  	_ =	task.clear_ibuf [dreg:s6], $0x6FFFF;
	_ =	strace $0x90000046  }
0xb4: {  	s29 =	simm.s32 $0x9;
	_ =	strace $0x80000048  }
0xb5: {  	_ =	swait.ge [sflag:s29], $0x1  }
0xb6: {  	[sflag:s29] =	ssyncadd.s32 $0xFFFFFFFF  }
0xb7: {  	_ =	strace $0x90000048  }
0xb8: {  	_ =	sfence  }
0xb9: {  	s30 =	sld [smem:$0x0];
	_ =	sdelay $0x2  }
0xba: {  	s31 =	sshll.u32 s1, $0xD;
	s1 =	sshrl.u32 s1, $0x2  }
0xbb: {  	s3 =	sand.u32 $0x4000, s31;
	s1 =	sadd.s32 s1, s30  }
0xbc: {  	s0 =	sor.u32 s3, s0;
	s1 =	sshll.u32 s1, $0x11  }
0xbd: {  	s0 =	sor.u32 s1, s0  }
0xbe: {  	s0 =	sadd.s32 $0x8F2B, s0  }
0xbf: {  	[sflag:s0] =	ssyncadd.remote.s32 $0x1  }
0xc0: {  	_ =	sfence.sel $0xFFFF  }
0xc1: {  	[dreg:$0x0] =	wrdreg $0xFFFFFFFF;
	(pc) =	sbr.abs _section_cstart, $3  }
0xc2: {  	[dreg:$0x1] =	wrdreg $0xFFFFFFFF  }
0xc3: {  	_ =	task.clear_ibuf [dreg:s6], $0x2FFFF;
	_ =	strace $0x9FFFFFFF  }
0xc4: {  	(tm) =	ssettm $0x7FFFFFFF  }
0xc5: {  	_ =	shalt  }
tec
execute0_lowered:
.L_overlay_start_1:
0x0: {  	(tag) =	ssettag $0x1  }
0x1: {  	s12 =	rddreg [dreg:$0x0]  }
0x2: {  	s2 =	rddreg [dreg:$0x1];
	_ =	strace $0x80000047;
	s13 =	simm.s32 $0x1  }
0x3: {  	v0 =	vimm.s32 $0x0;
	[sflag:s13] =	ssyncpa.u1 $0x0  }
0x4: {  	[tilespmem:$0x28] =	vst v0  }
0x5: {  	[tilespmem:$0x38] =	vst v0  }
0x6: {  	[tilespmem:$0x48] =	vst v0  }
0x7: {  	[tilespmem:$0x58] =	vst v0  }
0x8: {  	[tilespmem:$0x68] =	vst v0  }
0x9: {  	[tilespmem:$0x78] =	vst v0  }
0xa: {  	[tilespmem:$0x88] =	vst v0  }
0xb: {  	[tilespmem:$0x98] =	vst v0  }
0xc: {  	[tilespmem:$0xA8] =	vst v0  }
0xd: {  	[tilespmem:$0xB8] =	vst v0  }
0xe: {  	[tilespmem:$0xC8] =	vst v0  }
0xf: {  	[tilespmem:$0xD8] =	vst v0  }
0x10: {  	[tilespmem:$0xE8] =	vst v0  }
0x11: {  	[tilespmem:$0xF8] =	vst v0  }
0x12: {  	[tilespmem:$0x108] =	vst v0  }
0x13: {  	[tilespmem:$0x118] =	vst v0  }
0x14: {  	[tilespmem:$0x128] =	vst v0  }
0x15: {  	[tilespmem:$0x138] =	vst v0  }
0x16: {  	[tilespmem:$0x148] =	vst v0  }
0x17: {  	[tilespmem:$0x158] =	vst v0  }
0x18: {  	[tilespmem:$0x168] =	vst v0  }
0x19: {  	[tilespmem:$0x178] =	vst v0  }
0x1a: {  	[tilespmem:$0x188] =	vst v0  }
0x1b: {  	[tilespmem:$0x198] =	vst v0  }
0x1c: {  	[tilespmem:$0x1A8] =	vst v0  }
0x1d: {  	[tilespmem:$0x1B8] =	vst v0  }
0x1e: {  	[tilespmem:$0x1C8] =	vst v0  }
0x1f: {  	[tilespmem:$0x1D8] =	vst v0  }
0x20: {  	[tilespmem:$0x1E8] =	vst v0  }
0x21: {  	[tilespmem:$0x1F8] =	vst v0  }
0x22: {  	[tilespmem:$0x208] =	vst v0  }
0x23: {  	[tilespmem:$0x218] =	vst v0  }
0x24: {  	[tilespmem:$0x228] =	vst v0  }
0x25: {  	[tilespmem:$0x238] =	vst v0  }
0x26: {  	[tilespmem:$0x248] =	vst v0  }
0x27: {  	[tilespmem:$0x258] =	vst v0  }
0x28: {  	[tilespmem:$0x268] =	vst v0  }
0x29: {  	[tilespmem:$0x278] =	vst v0  }
0x2a: {  	[tilespmem:$0x288] =	vst v0  }
0x2b: {  	[tilespmem:$0x298] =	vst v0  }
0x2c: {  	[tilespmem:$0x2A8] =	vst v0  }
0x2d: {  	[tilespmem:$0x2B8] =	vst v0  }
0x2e: {  	[tilespmem:$0x2C8] =	vst v0  }
0x2f: {  	[tilespmem:$0x2D8] =	vst v0  }
0x30: {  	[tilespmem:$0x2E8] =	vst v0  }
0x31: {  	[tilespmem:$0x2F8] =	vst v0  }
0x32: {  	[tilespmem:$0x308] =	vst v0  }
0x33: {  	[tilespmem:$0x318] =	vst v0  }
0x34: {  	[tilespmem:$0x328] =	vst v0  }
0x35: {  	[tilespmem:$0x338] =	vst v0  }
0x36: {  	[tilespmem:$0x348] =	vst v0  }
0x37: {  	[tilespmem:$0x358] =	vst v0  }
0x38: {  	[tilespmem:$0x368] =	vst v0  }
0x39: {  	[tilespmem:$0x378] =	vst v0  }
0x3a: {  	[tilespmem:$0x388] =	vst v0  }
0x3b: {  	[tilespmem:$0x398] =	vst v0  }
0x3c: {  	[tilespmem:$0x3A8] =	vst v0  }
0x3d: {  	[tilespmem:$0x3B8] =	vst v0  }
0x3e: {  	[tilespmem:$0x3C8] =	vst v0  }
0x3f: {  	[tilespmem:$0x3D8] =	vst v0  }
0x40: {  	[tilespmem:$0x3E8] =	vst v0  }
0x41: {  	[tilespmem:$0x3F8] =	vst v0  }
0x42: {  	[tilespmem:$0x408] =	vst v0  }
0x43: {  	[tilespmem:$0x418] =	vst v0  }
0x44: {  	[tilespmem:$0x428] =	vst v0  }
0x45: {  	[tilespmem:$0x438] =	vst v0  }
0x46: {  	[tilespmem:$0x448] =	vst v0  }
0x47: {  	[tilespmem:$0x458] =	vst v0  }
0x48: {  	[tilespmem:$0x468] =	vst v0  }
0x49: {  	[tilespmem:$0x478] =	vst v0  }
0x4a: {  	[tilespmem:$0x488] =	vst v0  }
0x4b: {  	[tilespmem:$0x498] =	vst v0  }
0x4c: {  	[tilespmem:$0x4A8] =	vst v0  }
0x4d: {  	[tilespmem:$0x4B8] =	vst v0  }
0x4e: {  	[tilespmem:$0x4C8] =	vst v0  }
0x4f: {  	[tilespmem:$0x4D8] =	vst v0  }
0x50: {  	[tilespmem:$0x4E8] =	vst v0  }
0x51: {  	[tilespmem:$0x4F8] =	vst v0  }
0x52: {  	[tilespmem:$0x508] =	vst v0  }
0x53: {  	[tilespmem:$0x518] =	vst v0  }
0x54: {  	[tilespmem:$0x528] =	vst v0  }
0x55: {  	[tilespmem:$0x538] =	vst v0  }
0x56: {  	[tilespmem:$0x548] =	vst v0  }
0x57: {  	[tilespmem:$0x558] =	vst v0  }
0x58: {  	[tilespmem:$0x568] =	vst v0  }
0x59: {  	[tilespmem:$0x578] =	vst v0  }
0x5a: {  	[tilespmem:$0x588] =	vst v0  }
0x5b: {  	[tilespmem:$0x598] =	vst v0  }
0x5c: {  	[tilespmem:$0x5A8] =	vst v0  }
0x5d: {  	[tilespmem:$0x5B8] =	vst v0  }
0x5e: {  	[tilespmem:$0x5C8] =	vst v0  }
0x5f: {  	[tilespmem:$0x5D8] =	vst v0  }
0x60: {  	[tilespmem:$0x5E8] =	vst v0  }
0x61: {  	[tilespmem:$0x5F8] =	vst v0  }
0x62: {  	[tilespmem:$0x608] =	vst v0  }
0x63: {  	[tilespmem:$0x618] =	vst v0  }
0x64: {  	[tilespmem:$0x628] =	vst v0  }
0x65: {  	[tilespmem:$0x638] =	vst v0  }
0x66: {  	[tilespmem:$0x648] =	vst v0  }
0x67: {  	[tilespmem:$0x658] =	vst v0  }
0x68: {  	[tilespmem:$0x668] =	vst v0  }
0x69: {  	[tilespmem:$0x678] =	vst v0  }
0x6a: {  	[tilespmem:$0x688] =	vst v0  }
0x6b: {  	[tilespmem:$0x698] =	vst v0  }
0x6c: {  	[tilespmem:$0x6A8] =	vst v0  }
0x6d: {  	[tilespmem:$0x6B8] =	vst v0  }
0x6e: {  	[tilespmem:$0x6C8] =	vst v0  }
0x6f: {  	[tilespmem:$0x6D8] =	vst v0  }
0x70: {  	[tilespmem:$0x6E8] =	vst v0  }
0x71: {  	[tilespmem:$0x6F8] =	vst v0  }
0x72: {  	[tilespmem:$0x708] =	vst v0  }
0x73: {  	[tilespmem:$0x718] =	vst v0  }
0x74: {  	[tilespmem:$0x728] =	vst v0  }
0x75: {  	[tilespmem:$0x738] =	vst v0  }
0x76: {  	[tilespmem:$0x748] =	vst v0  }
0x77: {  	[tilespmem:$0x758] =	vst v0  }
0x78: {  	[tilespmem:$0x768] =	vst v0  }
0x79: {  	[tilespmem:$0x778] =	vst v0  }
0x7a: {  	[tilespmem:$0x788] =	vst v0  }
0x7b: {  	[tilespmem:$0x798] =	vst v0  }
0x7c: {  	[tilespmem:$0x7A8] =	vst v0  }
0x7d: {  	[tilespmem:$0x7B8] =	vst v0  }
0x7e: {  	[tilespmem:$0x7C8] =	vst v0  }
0x7f: {  	[tilespmem:$0x7D8] =	vst v0  }
0x80: {  	[tilespmem:$0x7E8] =	vst v0  }
0x81: {  	[tilespmem:$0x7F8] =	vst v0  }
0x82: {  	[tilespmem:$0x808] =	vst v0  }
0x83: {  	[tilespmem:$0x818] =	vst v0  }
0x84: {  	[tilespmem:$0x828] =	vst v0  }
0x85: {  	[tilespmem:$0x838] =	vst v0  }
0x86: {  	[tilespmem:$0x848] =	vst v0  }
0x87: {  	[tilespmem:$0x858] =	vst v0  }
0x88: {  	[tilespmem:$0x868] =	vst v0  }
0x89: {  	[tilespmem:$0x878] =	vst v0  }
0x8a: {  	[tilespmem:$0x888] =	vst v0  }
0x8b: {  	[tilespmem:$0x898] =	vst v0  }
0x8c: {  	[tilespmem:$0x8A8] =	vst v0  }
0x8d: {  	[tilespmem:$0x8B8] =	vst v0  }
0x8e: {  	[tilespmem:$0x8C8] =	vst v0  }
0x8f: {  	[tilespmem:$0x8D8] =	vst v0  }
0x90: {  	[tilespmem:$0x8E8] =	vst v0  }
0x91: {  	[tilespmem:$0x8F8] =	vst v0  }
0x92: {  	[tilespmem:$0x908] =	vst v0  }
0x93: {  	[tilespmem:$0x918] =	vst v0  }
0x94: {  	[tilespmem:$0x928] =	vst v0  }
0x95: {  	[tilespmem:$0x938] =	vst v0  }
0x96: {  	[tilespmem:$0x948] =	vst v0  }
0x97: {  	[tilespmem:$0x958] =	vst v0  }
0x98: {  	[tilespmem:$0x968] =	vst v0  }
0x99: {  	[tilespmem:$0x978] =	vst v0  }
0x9a: {  	[tilespmem:$0x988] =	vst v0  }
0x9b: {  	[tilespmem:$0x998] =	vst v0  }
0x9c: {  	[tilespmem:$0x9A8] =	vst v0  }
0x9d: {  	[tilespmem:$0x9B8] =	vst v0  }
0x9e: {  	[tilespmem:$0x9C8] =	vst v0  }
0x9f: {  	[tilespmem:$0x9D8] =	vst v0  }
0xa0: {  	[tilespmem:$0x9E8] =	vst v0  }
0xa1: {  	[tilespmem:$0x9F8] =	vst v0  }
0xa2: {  	[tilespmem:$0xA08] =	vst v0  }
0xa3: {  	[tilespmem:$0xA18] =	vst v0  }
0xa4: {  	[tilespmem:$0xA28] =	vst v0  }
0xa5: {  	[tilespmem:$0xA38] =	vst v0  }
0xa6: {  	[tilespmem:$0xA48] =	vst v0  }
0xa7: {  	[tilespmem:$0xA58] =	vst v0  }
0xa8: {  	[tilespmem:$0xA68] =	vst v0  }
0xa9: {  	[tilespmem:$0xA78] =	vst v0  }
0xaa: {  	[tilespmem:$0xA88] =	vst v0  }
0xab: {  	[tilespmem:$0xA98] =	vst v0  }
0xac: {  	[tilespmem:$0xAA8] =	vst v0  }
0xad: {  	[tilespmem:$0xAB8] =	vst v0  }
0xae: {  	[tilespmem:$0xAC8] =	vst v0  }
0xaf: {  	[tilespmem:$0xAD8] =	vst v0  }
0xb0: {  	[tilespmem:$0xAE8] =	vst v0  }
0xb1: {  	[tilespmem:$0xAF8] =	vst v0  }
0xb2: {  	[tilespmem:$0xB08] =	vst v0  }
0xb3: {  	[tilespmem:$0xB18] =	vst v0  }
0xb4: {  	[tilespmem:$0xB28] =	vst v0  }
0xb5: {  	[tilespmem:$0xB38] =	vst v0  }
0xb6: {  	[tilespmem:$0xB48] =	vst v0  }
0xb7: {  	[tilespmem:$0xB58] =	vst v0  }
0xb8: {  	[tilespmem:$0xB68] =	vst v0  }
0xb9: {  	[tilespmem:$0xB78] =	vst v0  }
0xba: {  	[tilespmem:$0xB88] =	vst v0  }
0xbb: {  	[tilespmem:$0xB98] =	vst v0  }
0xbc: {  	[tilespmem:$0xBA8] =	vst v0  }
0xbd: {  	[tilespmem:$0xBB8] =	vst v0  }
0xbe: {  	[tilespmem:$0xBC8] =	vst v0  }
0xbf: {  	[tilespmem:$0xBD8] =	vst v0  }
0xc0: {  	[tilespmem:$0xBE8] =	vst v0  }
0xc1: {  	[tilespmem:$0xBF8] =	vst v0  }
0xc2: {  	[tilespmem:$0xC08] =	vst v0  }
0xc3: {  	[tilespmem:$0xC18] =	vst v0  }
0xc4: {  	[tilespmem:$0xC28] =	vst v0  }
0xc5: {  	[tilespmem:$0xC38] =	vst v0  }
0xc6: {  	[tilespmem:$0xC48] =	vst v0  }
0xc7: {  	[tilespmem:$0xC58] =	vst v0  }
0xc8: {  	[tilespmem:$0xC68] =	vst v0  }
0xc9: {  	[tilespmem:$0xC78] =	vst v0  }
0xca: {  	[tilespmem:$0xC88] =	vst v0  }
0xcb: {  	[tilespmem:$0xC98] =	vst v0  }
0xcc: {  	[tilespmem:$0xCA8] =	vst v0  }
0xcd: {  	[tilespmem:$0xCB8] =	vst v0  }
0xce: {  	[tilespmem:$0xCC8] =	vst v0  }
0xcf: {  	[tilespmem:$0xCD8] =	vst v0  }
0xd0: {  	[tilespmem:$0xCE8] =	vst v0  }
0xd1: {  	[tilespmem:$0xCF8] =	vst v0  }
0xd2: {  	[tilespmem:$0xD08] =	vst v0  }
0xd3: {  	[tilespmem:$0xD18] =	vst v0  }
0xd4: {  	[tilespmem:$0xD28] =	vst v0  }
0xd5: {  	[tilespmem:$0xD38] =	vst v0  }
0xd6: {  	[tilespmem:$0xD48] =	vst v0  }
0xd7: {  	[tilespmem:$0xD58] =	vst v0  }
0xd8: {  	[tilespmem:$0xD68] =	vst v0  }
0xd9: {  	[tilespmem:$0xD78] =	vst v0  }
0xda: {  	[tilespmem:$0xD88] =	vst v0  }
0xdb: {  	[tilespmem:$0xD98] =	vst v0  }
0xdc: {  	[tilespmem:$0xDA8] =	vst v0  }
0xdd: {  	[tilespmem:$0xDB8] =	vst v0  }
0xde: {  	[tilespmem:$0xDC8] =	vst v0  }
0xdf: {  	[tilespmem:$0xDD8] =	vst v0  }
0xe0: {  	[tilespmem:$0xDE8] =	vst v0  }
0xe1: {  	[tilespmem:$0xDF8] =	vst v0  }
0xe2: {  	[tilespmem:$0xE08] =	vst v0  }
0xe3: {  	[tilespmem:$0xE18] =	vst v0  }
0xe4: {  	[tilespmem:$0xE28] =	vst v0  }
0xe5: {  	[tilespmem:$0xE38] =	vst v0  }
0xe6: {  	[tilespmem:$0xE48] =	vst v0  }
0xe7: {  	[tilespmem:$0xE58] =	vst v0  }
0xe8: {  	[tilespmem:$0xE68] =	vst v0  }
0xe9: {  	[tilespmem:$0xE78] =	vst v0  }
0xea: {  	[tilespmem:$0xE88] =	vst v0  }
0xeb: {  	[tilespmem:$0xE98] =	vst v0  }
0xec: {  	[tilespmem:$0xEA8] =	vst v0  }
0xed: {  	[tilespmem:$0xEB8] =	vst v0  }
0xee: {  	[tilespmem:$0xEC8] =	vst v0  }
0xef: {  	[tilespmem:$0xED8] =	vst v0  }
0xf0: {  	[tilespmem:$0xEE8] =	vst v0  }
0xf1: {  	[tilespmem:$0xEF8] =	vst v0  }
0xf2: {  	[tilespmem:$0xF08] =	vst v0  }
0xf3: {  	[tilespmem:$0xF18] =	vst v0  }
0xf4: {  	[tilespmem:$0xF28] =	vst v0  }
0xf5: {  	[tilespmem:$0xF38] =	vst v0  }
0xf6: {  	[tilespmem:$0xF48] =	vst v0  }
0xf7: {  	[tilespmem:$0xF58] =	vst v0  }
0xf8: {  	[tilespmem:$0xF68] =	vst v0  }
0xf9: {  	[tilespmem:$0xF78] =	vst v0  }
0xfa: {  	[tilespmem:$0xF88] =	vst v0  }
0xfb: {  	[tilespmem:$0xF98] =	vst v0  }
0xfc: {  	[tilespmem:$0xFA8] =	vst v0  }
0xfd: {  	[tilespmem:$0xFB8] =	vst v0  }
0xfe: {  	[tilespmem:$0xFC8] =	vst v0  }
0xff: {  	[tilespmem:$0xFD8] =	vst v0  }
0x100: {  	[tilespmem:$0xFE8] =	vst v0  }
0x101: {  	[tilespmem:$0xFF8] =	vst v0  }
0x102: {  	[tilespmem:$0x1018] =	vst v0  }
0x103: {  	[tilespmem:$0x10C8] =	vst v0  }
0x104: {  	[tilespmem:$0x1B28] =	vst v0  }
0x105: {  	[tilespmem:$0x1B18] =	vst v0  }
0x106: {  	[tilespmem:$0x1B08] =	vst v0  }
0x107: {  	[tilespmem:$0x1AF8] =	vst v0  }
0x108: {  	[tilespmem:$0x1AE8] =	vst v0  }
0x109: {  	[tilespmem:$0x1AD8] =	vst v0  }
0x10a: {  	[tilespmem:$0x1AC8] =	vst v0  }
0x10b: {  	[tilespmem:$0x1AB8] =	vst v0  }
0x10c: {  	[tilespmem:$0x1AA8] =	vst v0  }
0x10d: {  	[tilespmem:$0x1A98] =	vst v0  }
0x10e: {  	[tilespmem:$0x1A88] =	vst v0  }
0x10f: {  	[tilespmem:$0x1A78] =	vst v0  }
0x110: {  	[tilespmem:$0x1A68] =	vst v0  }
0x111: {  	[tilespmem:$0x1A58] =	vst v0  }
0x112: {  	[tilespmem:$0x1A48] =	vst v0  }
0x113: {  	[tilespmem:$0x1A38] =	vst v0  }
0x114: {  	[tilespmem:$0x1A28] =	vst v0  }
0x115: {  	[tilespmem:$0x1A18] =	vst v0  }
0x116: {  	[tilespmem:$0x1A08] =	vst v0  }
0x117: {  	[tilespmem:$0x19F8] =	vst v0  }
0x118: {  	[tilespmem:$0x19E8] =	vst v0  }
0x119: {  	[tilespmem:$0x19D8] =	vst v0  }
0x11a: {  	[tilespmem:$0x19C8] =	vst v0  }
0x11b: {  	[tilespmem:$0x19B8] =	vst v0  }
0x11c: {  	[tilespmem:$0x19A8] =	vst v0  }
0x11d: {  	[tilespmem:$0x1998] =	vst v0  }
0x11e: {  	[tilespmem:$0x1988] =	vst v0  }
0x11f: {  	[tilespmem:$0x1978] =	vst v0  }
0x120: {  	[tilespmem:$0x1968] =	vst v0  }
0x121: {  	[tilespmem:$0x1958] =	vst v0  }
0x122: {  	[tilespmem:$0x1948] =	vst v0  }
0x123: {  	[tilespmem:$0x1938] =	vst v0  }
0x124: {  	[tilespmem:$0x1928] =	vst v0  }
0x125: {  	[tilespmem:$0x1918] =	vst v0  }
0x126: {  	[tilespmem:$0x1908] =	vst v0  }
0x127: {  	[tilespmem:$0x18F8] =	vst v0  }
0x128: {  	[tilespmem:$0x18E8] =	vst v0  }
0x129: {  	[tilespmem:$0x18D8] =	vst v0  }
0x12a: {  	[tilespmem:$0x18C8] =	vst v0  }
0x12b: {  	[tilespmem:$0x18B8] =	vst v0  }
0x12c: {  	[tilespmem:$0x18A8] =	vst v0  }
0x12d: {  	[tilespmem:$0x1898] =	vst v0  }
0x12e: {  	[tilespmem:$0x1888] =	vst v0  }
0x12f: {  	[tilespmem:$0x1878] =	vst v0  }
0x130: {  	[tilespmem:$0x1868] =	vst v0  }
0x131: {  	[tilespmem:$0x1858] =	vst v0  }
0x132: {  	[tilespmem:$0x1848] =	vst v0  }
0x133: {  	[tilespmem:$0x1838] =	vst v0  }
0x134: {  	[tilespmem:$0x1828] =	vst v0  }
0x135: {  	[tilespmem:$0x1818] =	vst v0  }
0x136: {  	[tilespmem:$0x1808] =	vst v0  }
0x137: {  	[tilespmem:$0x17F8] =	vst v0  }
0x138: {  	[tilespmem:$0x17E8] =	vst v0  }
0x139: {  	[tilespmem:$0x17D8] =	vst v0  }
0x13a: {  	[tilespmem:$0x17C8] =	vst v0  }
0x13b: {  	[tilespmem:$0x17B8] =	vst v0  }
0x13c: {  	[tilespmem:$0x17A8] =	vst v0  }
0x13d: {  	[tilespmem:$0x1798] =	vst v0  }
0x13e: {  	[tilespmem:$0x1788] =	vst v0  }
0x13f: {  	[tilespmem:$0x1778] =	vst v0  }
0x140: {  	[tilespmem:$0x1768] =	vst v0  }
0x141: {  	[tilespmem:$0x1758] =	vst v0  }
0x142: {  	[tilespmem:$0x1748] =	vst v0  }
0x143: {  	[tilespmem:$0x1738] =	vst v0  }
0x144: {  	[tilespmem:$0x1728] =	vst v0  }
0x145: {  	[tilespmem:$0x1718] =	vst v0  }
0x146: {  	[tilespmem:$0x1708] =	vst v0  }
0x147: {  	[tilespmem:$0x16F8] =	vst v0  }
0x148: {  	[tilespmem:$0x16E8] =	vst v0  }
0x149: {  	[tilespmem:$0x16D8] =	vst v0  }
0x14a: {  	[tilespmem:$0x16C8] =	vst v0  }
0x14b: {  	[tilespmem:$0x16B8] =	vst v0  }
0x14c: {  	[tilespmem:$0x16A8] =	vst v0  }
0x14d: {  	[tilespmem:$0x1698] =	vst v0  }
0x14e: {  	[tilespmem:$0x1688] =	vst v0  }
0x14f: {  	[tilespmem:$0x1678] =	vst v0  }
0x150: {  	[tilespmem:$0x1668] =	vst v0  }
0x151: {  	[tilespmem:$0x1658] =	vst v0  }
0x152: {  	[tilespmem:$0x1648] =	vst v0  }
0x153: {  	[tilespmem:$0x1638] =	vst v0  }
0x154: {  	[tilespmem:$0x1628] =	vst v0  }
0x155: {  	[tilespmem:$0x1618] =	vst v0  }
0x156: {  	[tilespmem:$0x1608] =	vst v0  }
0x157: {  	[tilespmem:$0x15F8] =	vst v0  }
0x158: {  	[tilespmem:$0x15E8] =	vst v0  }
0x159: {  	[tilespmem:$0x15D8] =	vst v0  }
0x15a: {  	[tilespmem:$0x15C8] =	vst v0  }
0x15b: {  	[tilespmem:$0x15B8] =	vst v0  }
0x15c: {  	[tilespmem:$0x15A8] =	vst v0  }
0x15d: {  	[tilespmem:$0x1598] =	vst v0  }
0x15e: {  	[tilespmem:$0x1588] =	vst v0  }
0x15f: {  	[tilespmem:$0x1578] =	vst v0  }
0x160: {  	[tilespmem:$0x1568] =	vst v0  }
0x161: {  	[tilespmem:$0x1558] =	vst v0  }
0x162: {  	[tilespmem:$0x1548] =	vst v0  }
0x163: {  	[tilespmem:$0x1538] =	vst v0  }
0x164: {  	[tilespmem:$0x1528] =	vst v0  }
0x165: {  	[tilespmem:$0x1518] =	vst v0  }
0x166: {  	[tilespmem:$0x1508] =	vst v0  }
0x167: {  	[tilespmem:$0x14F8] =	vst v0  }
0x168: {  	[tilespmem:$0x14E8] =	vst v0  }
0x169: {  	[tilespmem:$0x14D8] =	vst v0  }
0x16a: {  	[tilespmem:$0x14C8] =	vst v0  }
0x16b: {  	[tilespmem:$0x14B8] =	vst v0  }
0x16c: {  	[tilespmem:$0x14A8] =	vst v0  }
0x16d: {  	[tilespmem:$0x1498] =	vst v0  }
0x16e: {  	[tilespmem:$0x1488] =	vst v0  }
0x16f: {  	[tilespmem:$0x1478] =	vst v0  }
0x170: {  	[tilespmem:$0x1468] =	vst v0  }
0x171: {  	[tilespmem:$0x1458] =	vst v0  }
0x172: {  	[tilespmem:$0x1448] =	vst v0  }
0x173: {  	[tilespmem:$0x1438] =	vst v0  }
0x174: {  	[tilespmem:$0x1428] =	vst v0  }
0x175: {  	[tilespmem:$0x1418] =	vst v0  }
0x176: {  	[tilespmem:$0x1408] =	vst v0  }
0x177: {  	[tilespmem:$0x13F8] =	vst v0  }
0x178: {  	[tilespmem:$0x13E8] =	vst v0  }
0x179: {  	[tilespmem:$0x13D8] =	vst v0  }
0x17a: {  	[tilespmem:$0x13C8] =	vst v0  }
0x17b: {  	[tilespmem:$0x13B8] =	vst v0  }
0x17c: {  	[tilespmem:$0x13A8] =	vst v0  }
0x17d: {  	[tilespmem:$0x1398] =	vst v0  }
0x17e: {  	[tilespmem:$0x1388] =	vst v0  }
0x17f: {  	[tilespmem:$0x1378] =	vst v0  }
0x180: {  	[tilespmem:$0x1368] =	vst v0  }
0x181: {  	[tilespmem:$0x1358] =	vst v0  }
0x182: {  	[tilespmem:$0x1348] =	vst v0  }
0x183: {  	[tilespmem:$0x1338] =	vst v0  }
0x184: {  	[tilespmem:$0x1328] =	vst v0  }
0x185: {  	[tilespmem:$0x1318] =	vst v0  }
0x186: {  	[tilespmem:$0x1308] =	vst v0  }
0x187: {  	[tilespmem:$0x12F8] =	vst v0  }
0x188: {  	[tilespmem:$0x12E8] =	vst v0  }
0x189: {  	[tilespmem:$0x12D8] =	vst v0  }
0x18a: {  	[tilespmem:$0x12C8] =	vst v0  }
0x18b: {  	[tilespmem:$0x12B8] =	vst v0  }
0x18c: {  	[tilespmem:$0x12A8] =	vst v0  }
0x18d: {  	[tilespmem:$0x1298] =	vst v0  }
0x18e: {  	[tilespmem:$0x1288] =	vst v0  }
0x18f: {  	[tilespmem:$0x1278] =	vst v0  }
0x190: {  	[tilespmem:$0x1268] =	vst v0  }
0x191: {  	[tilespmem:$0x1258] =	vst v0  }
0x192: {  	[tilespmem:$0x1248] =	vst v0  }
0x193: {  	[tilespmem:$0x1238] =	vst v0  }
0x194: {  	[tilespmem:$0x1228] =	vst v0  }
0x195: {  	[tilespmem:$0x1218] =	vst v0  }
0x196: {  	[tilespmem:$0x1208] =	vst v0  }
0x197: {  	[tilespmem:$0x11F8] =	vst v0  }
0x198: {  	[tilespmem:$0x11E8] =	vst v0  }
0x199: {  	[tilespmem:$0x11D8] =	vst v0  }
0x19a: {  	[tilespmem:$0x11C8] =	vst v0  }
0x19b: {  	[tilespmem:$0x11B8] =	vst v0  }
0x19c: {  	[tilespmem:$0x11A8] =	vst v0  }
0x19d: {  	[tilespmem:$0x1198] =	vst v0  }
0x19e: {  	[tilespmem:$0x1188] =	vst v0  }
0x19f: {  	[tilespmem:$0x1178] =	vst v0  }
0x1a0: {  	[tilespmem:$0x1168] =	vst v0  }
0x1a1: {  	[tilespmem:$0x1158] =	vst v0  }
0x1a2: {  	[tilespmem:$0x1148] =	vst v0  }
0x1a3: {  	[tilespmem:$0x1138] =	vst v0  }
0x1a4: {  	[tilespmem:$0x1128] =	vst v0  }
0x1a5: {  	[tilespmem:$0x1118] =	vst v0  }
0x1a6: {  	s4 =	stileid.u32;
	[tilespmem:$0x1108] =	vst v0  }
0x1a7: {  	s0 =	smul.u32 $0xB, s4;
	[tilespmem:$0x10F8] =	vst v0  }
0x1a8: {  	s1 =	smin.u32 s4, $0xA;
	[tilespmem:$0x10E8] =	vst v0  }
0x1a9: {  	[tilespmem:$0x10D8] =	vst v0;
	s0 =	sadd.s32 s1, s0  }
0x1aa: {  	p0 =	slt.u32 s4, $0xA;
	[tilespmem:$0x10A8] =	vst v0;
	s1 =	simm.s32 $0x1440;
	s6 =	smul.u32 $0x1B0, s0  }
0x1ab: {  	s1 =	simm.s32 @!p0 $0x1290;
	[tilespmem:$0x10B8] =	vst v0  }
0x1ac: {  	[tilespmem:$0x1098] =	vst v0;
	s0 =	sadd.s32 s1, s6  }
0x1ad: {  	s5 =	simm.s32 $0x2;
	[tilespmem:$0x1028] =	vst v0;
	s7 =	smin.u32 s0, $0x13880  }
0x1ae: {  	s26 =	simm.s32 $0x9;
	s29 =	simm.s32 $0xA;
	[tilespmem:$0x1088] =	vst v0;
	s0 =	ssub.s32 s7, s6  }
0x1af: {  	s30 =	simm.s32 $0xB;
	s16 =	simm.s32 $0x0;
	[tilespmem:$0x1078] =	vst v0;
	p0 =	sgt.s32 s0, $0x0  }
0x1b0: {  	p4 =	por $0x0, $0x0;
	s17 =	simm.s32 $0xC;
	[tilespmem:$0x1068] =	vst v0;
	s0 =	simm.s32 @!p0 $0x0  }
0x1b1: {  	s21 =	simm.s32 $0x0;
	s18 =	simm.s32 $0x0;
	[tilespmem:$0x1058] =	vst v0;
	s25 =	smulhi.u32 $0x4BDA12F7, s0  }
0x1b2: {  	s20 =	simm.s32 $0x0;
	s3 =	sadd.s32 $0x36200, s12;
	s8 =	sand.u32 $0x1, s2;
	[tilespmem:$0x1048] =	vst v0  }
0x1b3: {  	s9 =	sadd.s32 $0xCB9400, s12;
	s14 =	smul.u32 $0x2710, s8;
	[tilespmem:$0x1038] =	vst v0;
	s1 =	sshrl.u32 s25, $0x7  }
0x1b4: {  	s31 =	sshll.u32 s4, $0x5;
	[tilespmem:$0x1008] =	vst v0;
	[sflag:s5] =	ssyncpa.u1 $0x0;
	v0 =	vimm.s32 $0xFFFFFFFF;
	s28 =	smul.u32 $0x1B0, s1  }
.Ltmp0:
0x1b5: {  	[dreg:$0x5] =	wrdreg s8;
	[tilespmem:$0x3648] =	vst v0;
	[sflag:s26] =	ssyncpa.u1 $0x0;
	(pc) =	sbr.rel .LBB2_1-.Ltmp0, $4  }
0x1b6: {  	[dreg:$0x4] =	wrdreg s31;
	[sflag:s29] =	ssyncpa.u1 $0x0;
	p0 =	sne.s32 s0, s28  }
0x1b7: {  	s10 =	sadd.s32 s14, s12;
	[sflag:s30] =	ssyncpa.u1 $0x0;
	s13 =	simm.s32 @!p0 $0x0  }
0x1b8: {  	s15 =	sadd.s32 $0x5000, s10;
	s19 =	smov.u32 s6;
	s13 =	sadd.s32 s13, s1  }
0x1b9: {  	v0 =	vlaneseq.u32;
	[dreg:$0x6] =	wrdreg s6;
	p0 =	por $0x1, $0x1;
	s12 =	sadd.s32 $0x1, s13  }
.LBB2_18:
0x1ba: {  	s0 =	simm.s32 $0x2  }
0x1bb: {  	_ =	swait.ge [sflag:s0], $0x0  }
0x1bc: {  	[sflag:s0] =	ssyncset.done $0x0;
	s0 =	simm.s32 $0x0  }
.LBB2_19:
0x1bd: {  	_ =	swait.ge [sflag:s17], s0  }
0x1be: {  	s31 =	ssub.s32 $0x0, s0;
	v1 =	vmov s23;
	vm0 =	veq.s32 v0, $0x0;
	[sflag:s17] =	ssyncset.done $0x0  }
0x1bf: {  	vm15 =	veq.s32 v0, $0x2;
	v1 =	vsel vm0, s28, v1;
	[sflag:s17] =	ssyncadd.s32 s31  }
0x1c0: {  	v1 =	vsel vm15, s21, v1;
	[sflag:s17] =	ssyncpa.u1 $0x1  }
0x1c1: {  	[tilespmem:$0x3648] =	vst v1  }
.LBB2_20:
0x1c2: {  	s0 =	sadd.s32 $0x1B0, s19  }
0x1c3: {  	s1 =	smov.u32 s6;
	p1 =	slt.s32 s0, s7  }
0x1c4: {  	s1 =	smov.u32 @p1 s0;
	p1 =	sne.s32 s20, s12  }
.Ltmp1:
0x1c5: {  	_ = 	snop;
	(pc) =	sbr.rel @!p1 .LBB2_21-.Ltmp1, $4  }
0x1c6: {  	_ = 	snop  }
0x1c7: {  	s21 =	smov.u32 s18  }
0x1c8: {  	s31 =	sadd.s32 $0x1, s20;
	s18 =	smov.u32 s19;
	p0 =	por !p0, !p0  }
0x1c9: {  	p4 =	por !p4, !p4;
	s20 =	smov.u32 s31;
	s19 =	smov.u32 s1  }
.LBB2_1:
0x1ca: {  	p2 =	sge.u32 s20, s13  }
0x1cb: {  	s0 =	smulhi.u32 @!p2 $0xAAAAAAAB, s20  }
0x1cc: {  	s1 =	smov.u32 s19;
	p3 =	sgt.s32 @!p2 s19, $0x136D0  }
0x1cd: {  	s2 =	sshra.s32 @!p2 s19, $0x1F;
	p3 =	por !p3, p2;
	s0 =	sshrl.u32 @!p2 s0, $0x1  }
0x1ce: {  	s2 =	sand.u32 @!p2 s2, s19;
	s1 =	simm.s32 @p3 $0x136D0;
	s0 =	smul.u32 @!p2 $0x3, s0  }
0x1cf: {  	s1 =	ssub.s32 @!p2 s1, s2  }
0x1d0: {  	s23 =	sadd.s32 $0xFFFFFFFF, s20;
	s1 =	sadd.s32 @!p2 $0xFFFEC930, s1;
	s0 =	ssub.s32 @!p2 s20, s0  }
0x1d1: {  	s2 =	sshll.u32 @!p2 s1, $0x2;
	p3 =	sgt.s32 @!p2 s1, $0x1AF;
	s0 =	smul.u32 @!p2 $0x6C0, s0  }
0x1d2: {  	s5 =	sand.u32 @!p2 $0x7, s19;
	s1 =	ssub.s32 @!p2 $0x6C0, s2;
	p3 =	por !p3, p2  }
0x1d3: {  	s2 =	sshrl.u32 @!p2 s19, $0x3;
	s1 =	sshrl.u32 @!p2 s1, $0x2;
	s0 =	sshrl.u32 @!p2 s0, $0x2  }
0x1d4: {  	s2 =	sadd.s32 @!p2 s2, s15;
	s1 =	simm.s32 @!p3 $0x0;
	s0 =	sadd.s32 @!p2 $0x3888, s0  }
0x1d5: {  	[tilespmem:s0], [sflag:$0xA] =	stream.linear.gather @!p2 [hbm4b:s2+s5], s1, $0x38;
	[tilespmem:$0x1F0F8] =	vst v63  }
0x1d6: {  	p2 =	sge.u32 s23, s13  }
0x1d7: {  	p3 =	sgt.s32 @!p2 s18, $0x136D0  }
0x1d8: {  	s0 =	smov.u32 s18;
	s1 =	sshra.s32 @!p2 s18, $0x1F;
	p3 =	por !p3, p2  }
0x1d9: {  	s1 =	sand.u32 @!p2 s1, s18;
	s0 =	simm.s32 @p3 $0x136D0  }
0x1da: {  	s0 =	ssub.s32 @!p2 s0, s1  }
0x1db: {  	s0 =	sadd.s32 @!p2 $0xFFFEC930, s0  }
0x1dc: {  	s1 =	sshll.u32 @!p2 s0, $0x2  }
0x1dd: {  	p3 =	sgt.s32 @!p2 s0, $0x1AF;
	s0 =	ssub.s32 @!p2 $0x6C0, s1  }
0x1de: {  	s22 =	ssub.s32 @!p2 $0x13880, s18;
	p3 =	por !p3, p2;
	s0 =	sshrl.u32 @!p2 s0, $0x2  }
0x1df: {  	s1 =	sand.u32 @!p2 $0x1, s23;
	s0 =	simm.s32 @!p3 $0x0;
	p3 =	slt.s32 @!p2 s22, $0x1  }
0x1e0: {  	s2 =	simm.s32 @!p2 $0xA;
	s1 =	smul.u32 @!p2 $0x6C0, s1;
	p3 =	por p2, p3  }
.Ltmp2:
0x1e1: {  	_ =	swait.ge @!p2 [sflag:s2], s0;
	(pc) =	sbr.rel @p3 .LBB2_7-.Ltmp2, $4  }
0x1e2: {  	s5 =	ssub.s32 @!p2 $0x0, s0;
	[sflag:s2] =	ssyncset.done @!p2 $0x0  }
0x1e3: {  	s1 =	sshrl.u32 @!p2 s1, $0x2;
	[sflag:s2] =	ssyncadd.s32 @!p2 s5;
	s2 =	sshrl.u32 @!p2 s18, $0x3  }
0x1e4: {  	s1 =	sadd.s32 @!p2 $0x3D98, s1;
	s5 =	sand.u32 @!p2 $0x7, s18;
	s2 =	sadd.s32 @!p2 s2, s10  }
0x1e5: {  	[tilespmem:s1], [sflag:$0xB] =	stream.linear.gather @!p2 [hbm4b:s2+s5], s0, $0x38;
	[tilespmem:$0x1F0F8] =	vst v63  }
0x1e6: {  	s0 =	smulhi.u32 $0xAAAAAAAB, s23;
	_ =	sdelay $0x1  }
0x1e7: {  	s0 =	sshrl.u32 s0, $0x1  }
0x1e8: {  	s0 =	smul.u32 $0x3, s0;
	_ =	sdelay $0x1  }
0x1e9: {  	s0 =	ssub.s32 s23, s0  }
0x1ea: {  	s1 =	simm.s32 $0x1;
	s0 =	smul.u32 $0x6C0, s0  }
.Ltmp3:
0x1eb: {  	s1 =	simm.s32 @!p0 $0x0;
	(pc) =	sbr.rel .LBB2_4-.Ltmp3, $4  }
0x1ec: {  	s1 =	smul.u32 $0x36000, s1  }
0x1ed: {  	p3 =	slt.s32 @!p2 s22, $0x1B0;
	s0 =	sshrl.u32 s0, $0x2  }
0x1ee: {  	p2 =	por !p3, p2;
	s1 =	sshrl.u32 s1, $0x2;
	s0 =	sadd.s32 $0x3888, s0  }
0x1ef: {  	s24 =	simm.s32 $0x0;
	s22 =	simm.s32 @p2 $0x1B0;
	s23 =	sadd.s32 $0x40F8, s1;
	v1 =	vmov s0  }
.LBB2_3:
0x1f0: {  	p2 =	sge.s32 s24, s22  }
.Ltmp4:
0x1f1: {  	_ = 	snop;
	(pc) =	sbr.rel @p2 .LBB2_7-.Ltmp4, $2  }
0x1f2: {  	_ =	sdelay $0x2  }
0x1f3: {  	s23 =	sadd.s32 $0x800, s23  }
.LBB2_4:
0x1f4: {  	p2 =	sle.s32 s22, s24  }
.Ltmp5:
0x1f5: {  	_ = 	snop;
	(pc) =	sbr.rel @p2 .LBB2_3-.Ltmp5, $2  }
0x1f6: {  	_ =	sdelay $0x2  }
0x1f7: {  	s0 =	smov.u32 s24;
	s24 =	sadd.s32 $0x10, s24  }
0x1f8: {  	s1 =	ssub.s32 s22, s0  }
0x1f9: {  	p2 =	slt.s32 s1, $0x10  }
0x1fa: {  	s1 =	simm.s32 @!p2 $0x10  }
0x1fb: {  	v2 =	vmov s1  }
0x1fc: {  	vm0 =	vgt.s32 v2, v0;
	_ =	sdelay $0x5  }
0x1fd: {  	v2 =	vld.idx.msk [tilespmem:v1+s0+$0x0 ss:$0x1], vm0;
	_ =	sdelay $0x2  }
0x1fe: {  	p2 =	slt.s32 s24, s22;
	s1 =	smov.u32 s22  }
0x1ff: {  	s2 =	smov.u32 s23;
	s25 =	simm.s32 $0x0;
	s1 =	smov.u32 @p2 s24  }
.LBB2_6:
0x200: {  	(v2sf) =	vpush v2, s25;
	_ =	sdelay $0xc  }
0x201: {  	s25 =	sadd.s32 $0x1, s25  }
0x202: {  	s31 =	sadd.s32 s25, s0  }
0x203: {  	p2 =	slt.s32 s31, s1;
	s5 =	spop (v2sf)  }
.Ltmp6:
0x204: {  	s5 =	sshll.u32 s5, $0x4;
	(pc) =	sbr.rel @p2 .LBB2_6-.Ltmp6, $4  }
0x205: {  	s5 =	sand.u32 $0x1FFFFFF0, s5  }
0x206: {  	s5 =	sadd.s32 s9, s5  }
0x207: {  	[tilespmem:s2], [sflag:$0x9] =	stream.linear.gather [hbm4b:s5+s16], $0x4, $0x38;
	[tilespmem:$0x1F0F8] =	vst v63  }
0x208: {  	s2 =	sadd.s32 $0x80, s2  }
.Ltmp7:
0x209: {  	_ = 	snop;
	(pc) =	sbr.rel .LBB2_3-.Ltmp7, $1  }
0x20a: {  	_ =	sdelay $0x3  }
.LBB2_7:
0x20b: {  	p2 =	slt.u32 s20, $0x2  }
.Ltmp8:
0x20c: {  	_ = 	snop;
	(pc) =	sbr.rel @p2 .LBB2_20-.Ltmp8, $1  }
0x20d: {  	_ =	sdelay $0x3  }
0x20e: {  	p2 =	sgt.s32 s21, $0x136D0  }
0x20f: {  	s0 =	smov.u32 s21;
	s1 =	sshra.s32 s21, $0x1F;
	s2 =	ssub.s32 $0x13880, s21  }
0x210: {  	s0 =	simm.s32 @!p2 $0x136D0;
	s1 =	sand.u32 s1, s21;
	p2 =	slt.s32 s2, $0x1B0  }
0x211: {  	s0 =	ssub.s32 s0, s1;
	s2 =	simm.s32 @!p2 $0x1B0  }
0x212: {  	s0 =	sadd.s32 $0xFFFEC930, s0;
	s24 =	sshll.u32 s2, $0x2  }
0x213: {  	s28 =	simm.s32 $0x9;
	s25 =	sshll.u32 s0, $0x2;
	s1 =	sand.u32 $0x3FFFFFFC, s24  }
0x214: {  	p2 =	sgt.s32 s0, $0x1AF;
	s26 =	ssub.s32 $0x6C0, s25;
	_ =	swait.ge [sflag:s28], s1  }
0x215: {  	s1 =	ssub.s32 $0x0, s1;
	[sflag:s28] =	ssyncset.done $0x0;
	s0 =	sshrl.u32 s26, $0x2  }
0x216: {  	s30 =	simm.s32 $0xB;
	[sflag:s28] =	ssyncadd.s32 s1;
	s0 =	simm.s32 @p2 $0x0  }
0x217: {  	_ =	swait.ge [sflag:s30], s0  }
0x218: {  	s0 =	ssub.s32 $0x0, s0;
	[sflag:s30] =	ssyncset.done $0x0  }
0x219: {  	[sflag:s30] =	ssyncadd.s32 s0  }
0x21a: {  	v1 =	vld [tilespmem:$0x3648];
	_ =	sdelay $0x4  }
0x21b: {  	(v2sf) =	vpush v1, $0x0  }
0x21c: {  	(v2sf) =	vpush v1, $0x1  }
0x21d: {  	(v2sf) =	vpush v1, $0x2;
	_ =	sdelay $0x3  }
0x21e: {  	s0 =	sadd.s32 $0x1B0, s21  }
0x21f: {  	s1 =	ssub.s32 $0x27100, s21;
	p2 =	slt.s32 s7, s0  }
0x220: {  	s0 =	smov.u32 @p2 s7;
	p2 =	sgt.s32 s1, $0x0  }
0x221: {  	s25 =	ssub.s32 s0, s21;
	s1 =	simm.s32 @!p2 $0x0  }
0x222: {  	p2 =	slt.s32 s1, s25  }
0x223: {  	s25 =	smov.u32 @p2 s1  }
0x224: {  	s24 =	simm.s32 $0x1;
	p2 =	slt.s32 s25, $0x1  }
.Ltmp9:
0x225: {  	s24 =	simm.s32 @!p4 $0x0;
	(pc) =	sbr.rel @p2 .LBB2_12-.Ltmp9, $4  }
0x226: {  	s31 =	smul.u32 $0x6C0, s24  }
0x227: {  	s26 =	spop (v2sf)  }
0x228: {  	s0 =	sshrl.u32 s31, $0x2;
	s29 =	spop (v2sf)  }
0x229: {  	s22 =	sadd.s32 $0x3D98, s0;
	s21 =	spop (v2sf)  }
0x22a: {  	s0 =	smin.u32 s25, $0x10  }
0x22b: {  	v1 =	vmov s0  }
0x22c: {  	p3 =	sgt.s32 s25, $0x10;
	vm1 =	vgt.u32 v1, v0  }
.Ltmp10:
0x22d: {  	_ = 	snop;
	(pc) =	sbr.rel @!p3 .LBB2_11-.Ltmp10, $2  }
0x22e: {  	_ =	sdelay $0x2  }
0x22f: {  	s23 =	simm.s32 $0x10;
	s28 =	sadd.s32 $0xFFFFFFF0, s25;
	s0 =	smov.u32 s22;
	vm0 =	vmmov vm1  }
.LBB2_10:
0x230: {  	s1 =	smin.u32 s28, $0x10;
	s23 =	sadd.s32 $0x10, s23;
	v1 =	vld.msk [tilespmem:s0+$0x0 ss:$0x1], vm1  }
0x231: {  	v2 =	vmov s1;
	p3 =	slt.s32 s23, s25  }
0x232: {  	vm1 =	vgt.u32 v2, v0  }
.Ltmp11:
0x233: {  	(pc) =	sbr.rel @p3 .LBB2_10-.Ltmp11, $3  }
0x234: {  	_ =	sdelay $0x1  }
0x235: {  	v1 =	vshll.u32 v1, $0x4  }
0x236: {  	s28 =	sadd.s32 $0xFFFFFFF0, s28;
	[tilespmem:s0+$0x0] =	vst.msk vm0, v1;
	s0 =	sadd.s32 $0x10, s0;
	vm0 =	vmmov vm1  }
.LBB2_11:
0x237: {  	_ =	sdelay $0x4  }
0x238: {  	v1 =	vld.msk [tilespmem:s0+$0x0 ss:$0x1], vm1;
	_ =	sdelay $0x4  }
0x239: {  	v1 =	vshll.u32 v1, $0x4  }
0x23a: {  	[tilespmem:s0+$0x0] =	vst.msk vm0, v1  }
.LBB2_12:
0x23b: {  	s0 =	sand.u32 $0x1, s20  }
0x23c: {  	s0 =	smul.u32 $0x1B0, s0  }
0x23d: {  	p3 =	sne.s32 s29, $0xFFFFFFFF  }
0x23e: {  	v1 =	vld.msk @!p3 [tilespmem:s0+$0x3D98], $0x1;
	_ =	sdelay $0x4  }
0x23f: {  	(v2sf) =	vpush @!p3 v1, $0x0;
	_ =	sdelay $0xc  }
.Ltmp12:
0x240: {  	_ = 	snop;
	(pc) =	sbr.rel @p2 .LBB2_18-.Ltmp12, $4  }
0x241: {  	_ = 	snop  }
0x242: {  	s28 =	spop @!p3 (v2sf)  }
0x243: {  	s21 =	simm.s32 @!p3 $0x0;
	s23 =	smov.u32 s28  }
0x244: {  	[sflag:s17] =	ssyncpa.u1 $0x0;
	s28 =	smov.u32 @p3 s26;
	s23 =	smov.u32 @p3 s29  }
0x245: {  	v1 =	vld.msk [tilespmem:s22+$0x0], $0x1;
	_ =	sdelay $0x4  }
0x246: {  	(v2sf) =	vpush v1, $0x0;
	_ =	sdelay $0xe  }
0x247: {  	s0 =	simm.s32 @!p4 $0x0;
	s26 =	smul.u32 $0x36000, s24;
	s31 =	spop (v2sf)  }
0x248: {  	s29 =	ssub.s32 $0x0, s25;
	s0 =	simm.s32 @p4 $0x1;
	p2 =	seq.s32 s28, s31  }
0x249: {  	s1 =	smov.u32 s28;
	[smem:$0x7FD] =	sst s0;
	p3 =	sgt.s32 @!p2 s28, $0x0  }
0x24a: {  	s0 =	sshrl.u32 s26, $0x2;
	s26 =	sadd.s32 $0x1, s29;
	p3 =	por !p3, p2  }
0x24b: {  	s1 =	simm.s32 @p3 $0x0;
	p3 =	seq.s32 s26, $0x0  }
.Ltmp13:
0x24c: {  	_ = 	snop;
	(pc) =	sbr.rel @p3 .LBB2_15-.Ltmp13, $4  }
0x24d: {  	s6 =	smov.u32 s10;
	s25 =	simm.s32 $0x0  }
0x24e: {  	s24 =	sadd.s32 $0x40F8, s0;
	s0 =	simm.s32 @!p2 $0x1;
	s2 =	smin.u32 @!p2 s1, $0x270FF  }
0x24f: {  	s30 =	sadd.s32 $0x1, s22;
	s0 =	smov.u32 @p2 s25;
	s5 =	sand.u32 @!p2 $0x3FFF8, s2  }
0x250: {  	s1 =	simm.s32 @!p2 $0x1B38;
	s2 =	sand.u32 @!p2 $0x7, s2;
	s5 =	sadd.s32 @!p2 s3, s5  }
.LBB2_14:
0x251: {  	s4 =	smov.u32 s0  }
0x252: {  	[tilespmem:s1], [sflag:$0x2] =	stream.linear.gather @!p2 [hbm4b:s5+s2], $0x4, $0x38;
	[tilespmem:$0x1F0F8] =	vst v63  }
0x253: {  	s26 =	sadd.s32 $0x1, s26;
	s2 =	smov.u32 s31;
	v1 =	vld.msk [tilespmem:s30+$0x0], $0x1  }
0x254: {  	p3 =	seq.s32 s26, $0x0;
	_ =	sdelay $0x3  }
0x255: {  	(v2sf) =	vpush v1, $0x0;
	_ =	sdelay $0xe  }
0x256: {  	s31 =	spop (v2sf)  }
0x257: {  	p2 =	seq.s32 s2, s31  }
0x258: {  	p4 =	sgt.s32 @!p2 s2, $0x0;
	s1 =	sshll.u32 @!p2 s0, $0x6;
	s0 =	sadd.s32 @!p2 $0x1, s0  }
.Ltmp14:
0x259: {  	p4 =	por !p4, p2;
	s1 =	sshra.s32 @!p2 s1, $0x2;
	(pc) =	sbr.rel @!p3 .LBB2_14-.Ltmp14, $4  }
0x25a: {  	s0 =	smov.u32 @p2 s4;
	s2 =	simm.s32 @p4 $0x0;
	s1 =	sadd.s32 @!p2 $0x1B38, s1  }
0x25b: {  	s2 =	smin.u32 @!p2 s2, $0x270FF  }
0x25c: {  	s4 =	sand.u32 @!p2 $0x3FFF8, s2;
	s2 =	sand.u32 @!p2 $0x7, s2  }
0x25d: {  	s30 =	sadd.s32 $0x1, s30;
	s5 =	sadd.s32 @!p2 s3, s4  }
.LBB2_15:
0x25e: {  	[tilespmem:s1], [sflag:$0x2] =	stream.linear.gather @!p2 [hbm4b:s5+s2], $0x4, $0x38;
	[tilespmem:$0x1F0F8] =	vst v63  }
0x25f: {  	s0 =	sshll.u32 s0, $0x2  }
0x260: {  	s31 =	simm.s32 $0x2;
	s0 =	sand.u32 $0x3FFFFFFC, s0  }
0x261: {  	_ =	swait.ge [sflag:s31], s0  }
0x262: {  	s0 =	ssub.s32 $0x0, s0;
	[sflag:s31] =	ssyncset.done $0x0  }
0x263: {  	[sflag:s31] =	ssyncadd.s32 s0  }
0x264: {  	v1 =	vld.msk [tilespmem:s22+$0x0], $0x1;
	_ =	sdelay $0x4  }
0x265: {  	(v2sf) =	vpush v1, $0x0;
	_ =	sdelay $0xe  }
0x266: {  	s26 =	spop (v2sf)  }
0x267: {  	p2 =	sne.s32 s28, s26  }
0x268: {  	p4 =	sne.s32 @p2 s28, s23  }
0x269: {  	p3 =	por !p4, !p2  }
0x26a: {  	s0 =	simm.s32 @!p3 $0x0  }
0x26b: {  	v1 =	vld.msk @!p3 [tilespmem:s0+$0x1B38], $0xf  }
0x26c: {  	p5 =	sgt.u32 @!p3 s28, $0x270FF  }
0x26d: {  	s1 =	sshll.u32 @!p3 s21, $0x6;
	p6 =	por @p2 p5, !p4  }
0x26e: {  	s1 =	sshra.s32 @!p3 s1, $0x2;
	p1 =	por p6, !p2;
	p6 =	por p4, !p2  }
0x26f: {  	s2 =	sadd.s32 @!p3 $0x28, s1;
	s4 =	sand.u32 @!p1 $0x3FFF8, s28;
	s5 =	sshll.u32 @!p6 s21, $0x6  }
0x270: {  	s28 =	sand.u32 @!p1 $0x7, s28;
	[tilespmem:s1+$0x28] =	vst.add.f32.msk @!p3 $0xf, v1;
	s1 =	sadd.s32 @!p1 s3, s4;
	s4 =	sshra.s32 @!p6 s5, $0x2  }
0x271: {  	[hbm4b:s1+s28] =	stream.linear.scatter @!p1 [tilespmem:s2], [sflag:$0xC], $0x4, $0x38;
	[tilespmem:$0x1F0F8] =	vst v63  }
0x272: {  	s0 =	rddreg [dreg:$0x4];
	s1 =	sadd.s32 @!p6 $0x28, s4;
	s2 =	simm.s32 @!p6 $0x1  }
0x273: {  	[spmem:s0] =	stream.linear.scatter @!p6 [tilespmem:s1], [sflag:$0x1], $0x4, $0x38;
	[tilespmem:$0x1F0F8] =	vst v63  }
0x274: {  	s0 =	sadd.s32 @p2 $0x1, s21;
	_ =	swait.ge @!p6 [sflag:s2], $0x4  }
0x275: {  	s1 =	sshrl.u32 @p2 s0, $0x4;
	[sflag:s2] =	ssyncset.done @!p6 $0x0  }
0x276: {  	s1 =	smulhi.u32 @p2 $0x97B425F, s1;
	[sflag:s2] =	ssyncadd.s32 @!p6 $0xFFFFFFFC  }
0x277: {  	s28 =	sadd.s32 $0x1, s29;
	v1 =	vld.msk @p2 [tilespmem:s24+$0x0], $0xf  }
0x278: {  	p1 =	por @p2 !p5, !p4;
	p4 =	seq.s32 s28, $0x0;
	s1 =	smul.u32 @p2 $0x1B0, s1  }
.Ltmp15:
0x279: {  	p1 =	por !p1, !p2;
	s2 =	simm.s32 @!p3 $0x0;
	(pc) =	sbr.rel @p4 .LBB2_17-.Ltmp15, $4  }
0x27a: {  	s4 =	sshll.u32 @!p2 s21, $0x6;
	s2 =	simm.s32 @!p1 $0x10;
	s0 =	ssub.s32 @p2 s0, s1  }
0x27b: {  	s29 =	simm.s32 $0x0;
	s2 =	sadd.s32 @!p3 $0x0, s2;
	s5 =	sshll.u32 @p2 s0, $0x4  }
0x27c: {  	s30 =	sshra.s32 @!p2 s4, $0x2;
	s1 =	simm.s32 @p2 $0x1;
	s2 =	smov.u32 @p3 s25;
	[tilespmem:s5+$0x28] =	vst.msk @p2 $0xf, v1  }
0x27d: {  	s21 =	smov.u32 @p2 s0;
	s29 =	smov.u32 @p2 s2;
	s25 =	smov.u32 @p2 s1;
	v1 =	vld.msk @!p2 [tilespmem:s24+$0x0], $0xf  }
.LBB2_16:
0x27e: {  	_ =	sdelay $0x3  }
0x27f: {  	s22 =	sadd.s32 $0x1, s22;
	[tilespmem:s30+$0x28] =	vst.add.f32.msk @!p2 $0xf, v1  }
0x280: {  	v1 =	vld.msk [tilespmem:s22+$0x0], $0x1;
	_ =	sdelay $0x4  }
0x281: {  	(v2sf) =	vpush v1, $0x0;
	_ =	sdelay $0xe  }
0x282: {  	s0 =	smov.u32 s26;
	s26 =	spop (v2sf)  }
0x283: {  	p2 =	sne.s32 s0, s26  }
0x284: {  	p5 =	sne.s32 @p2 s0, s23  }
0x285: {  	s4 =	sshll.u32 @!p2 s21, $0x6;
	p4 =	por !p5, !p2  }
0x286: {  	s30 =	sshra.s32 @!p2 s4, $0x2;
	s4 =	sshll.u32 @!p4 s25, $0x6  }
0x287: {  	s4 =	sshra.s32 @!p4 s4, $0x2  }
0x288: {  	p1 =	sgt.u32 @!p4 s0, $0x270FF;
	v1 =	vld.msk @!p4 [tilespmem:s4+$0x1B38], $0xf  }
0x289: {  	s31 =	sshll.u32 @!p4 s21, $0x6;
	p6 =	por @p2 p1, !p5;
	p1 =	por @p2 !p1, !p5  }
0x28a: {  	s8 =	simm.s32 @!p4 $0x0;
	s31 =	sshra.s32 @!p4 s31, $0x2;
	p1 =	por !p1, !p2  }
0x28b: {  	p5 =	por p5, !p2;
	s8 =	simm.s32 @!p1 $0x10;
	p1 =	por p6, !p2  }
0x28c: {  	s4 =	sadd.s32 @!p4 $0x28, s31;
	s14 =	sshll.u32 @!p5 s21, $0x6;
	s11 =	sand.u32 @!p1 $0x3FFF8, s0  }
0x28d: {  	s14 =	sshra.s32 @!p5 s14, $0x2;
	s0 =	sand.u32 @!p1 $0x7, s0;
	s11 =	sadd.s32 @!p1 s3, s11;
	[tilespmem:s31+$0x28] =	vst.add.f32.msk @!p4 $0xf, v1  }
0x28e: {  	[hbm4b:s11+s0] =	stream.linear.scatter @!p1 [tilespmem:s4], [sflag:$0xC], $0x4, $0x38;
	[tilespmem:$0x1F0F8] =	vst v63  }
0x28f: {  	s1 =	rddreg [dreg:$0x4];
	s0 =	sadd.s32 @!p5 $0x28, s14;
	s4 =	simm.s32 @!p5 $0x1  }
0x290: {  	[spmem:s1] =	stream.linear.scatter @!p5 [tilespmem:s0], [sflag:$0x1], $0x4, $0x38;
	[tilespmem:$0x1F0F8] =	vst v63  }
0x291: {  	s2 =	sadd.s32 @p2 $0x1, s21;
	_ =	swait.ge @!p5 [sflag:s4], $0x4  }
0x292: {  	s5 =	sshrl.u32 @p2 s2, $0x4;
	[sflag:s4] =	ssyncset.done @!p5 $0x0  }
0x293: {  	s24 =	sadd.s32 $0x80, s24;
	s5 =	smulhi.u32 @p2 $0x97B425F, s5;
	[sflag:s4] =	ssyncadd.s32 @!p5 $0xFFFFFFFC  }
0x294: {  	s28 =	sadd.s32 $0x1, s28;
	v1 =	vld.msk @p2 [tilespmem:s24+$0x0], $0xf  }
0x295: {  	p3 =	seq.s32 s28, $0x0;
	s5 =	smul.u32 @p2 $0x1B0, s5  }
.Ltmp16:
0x296: {  	_ = 	snop;
	(pc) =	sbr.rel @!p3 .LBB2_16-.Ltmp16, $4  }
0x297: {  	s2 =	ssub.s32 @p2 s2, s5  }
0x298: {  	s8 =	sadd.s32 @!p4 s8, s29;
	s5 =	sshll.u32 @p2 s2, $0x4  }
0x299: {  	s10 =	sadd.s32 @p2 $0x1, s25;
	s8 =	smov.u32 @p4 s29;
	[tilespmem:s5+$0x28] =	vst.msk @p2 $0xf, v1  }
0x29a: {  	s25 =	smov.u32 @p2 s10;
	s21 =	smov.u32 @p2 s2;
	s29 =	smov.u32 @p2 s8;
	v1 =	vld.msk @!p2 [tilespmem:s24+$0x0], $0xf  }
.LBB2_17:
.Ltmp17:
0x29b: {  	_ = 	snop;
	(pc) =	sbr.rel .LBB2_19-.Ltmp17, $3  }
0x29c: {  	s1 =	sld [smem:$0x7FD];
	_ =	sdelay $0x1  }
0x29d: {  	s0 =	sshrl.u32 s29, $0x2;
	s28 =	smov.u32 s26  }
0x29e: {  	s10 =	smov.u32 s6;
	s6 =	rddreg [dreg:$0x6];
	p4 =	seq.s32 s1, $0x1;
	[tilespmem:s30+$0x28] =	vst.add.f32.msk @!p2 $0xf, v1  }
.LBB2_21:
0x29f: {  	_ =	sfence.sel $0x180000  }
0x2a0: {  	s0 =	simm.s32 $0x9;
	[bflag:$0x0] =	sbarrier.arrive $0xFFFF  }
0x2a1: {  	s24 =	simm.s32 $0xA;
	[sflag:s0] =	ssyncpa.u1 $0x1  }
0x2a2: {  	s25 =	simm.s32 $0xB;
	[sflag:s24] =	ssyncpa.u1 $0x1  }
0x2a3: {  	s26 =	simm.s32 $0x2;
	[sflag:s25] =	ssyncpa.u1 $0x1  }
0x2a4: {  	[sflag:s26] =	ssyncpa.u1 $0x1  }
0x2a5: {  	v0 =	vld [tilespmem:$0x3648];
	_ =	sdelay $0x4  }
0x2a6: {  	(v2sf) =	vpush v0, $0x0  }
0x2a7: {  	(v2sf) =	vpush v0, $0x1;
	_ =	sdelay $0x1  }
0x2a8: {  	(v2sf) =	vpush v0, $0x2;
	_ =	sdelay $0xb  }
0x2a9: {  	s0 =	spop (v2sf)  }
0x2aa: {  	s1 =	spop (v2sf)  }
0x2ab: {  	s2 =	smov.u32 s0;
	p0 =	sne.s32 s0, s1  }
0x2ac: {  	s4 =	spop (v2sf);
	s2 =	simm.s32 @!p0 $0xFFFFFFFF  }
0x2ad: {  	v2 =	vimm.s32 $0x1;
	v3 =	vlaneseq.u32;
	p0 =	seq.s32 s4, $0xFFFFFFFF;
	v1 =	vmov s2  }
0x2ae: {  	s16 =	stileid.u32;
	v0 =	vperm.xlane v0, v2;
	p1 =	sne.s32 @!p0 s0, s1;
	v1 =	vperm.xlane v1, v3  }
0x2af: {  	vm0 =	vcmask $0x3F04;
	s6 =	simm.s32 $0x3648;
	s0 =	simm.s32 @!p0 $0x1;
	p1 =	por !p1, p0  }
0x2b0: {  	s2 =	sshll.u32 s16, $0x1;
	s1 =	sshll.u32 @!p0 s4, $0x6;
	s0 =	simm.s32 @p1 $0x0;
	v0 =	vsel vm0, v1, v0  }
0x2b1: {  	s5 =	sor.u32 $0x200, s2;
	s1 =	sshra.s32 @!p0 s1, $0x2;
	s0 =	sor.u32 @!p0 s0, s2;
	[tilespmem:$0x3648] =	vst v0  }
0x2b2: {  	[spmem:s5] =	stream.linear.scatter [tilespmem:s6], [sflag:$0x1], $0x2, $0x38;
	[tilespmem:$0x1F0F8] =	vst v63  }
0x2b3: {  	s1 =	sadd.s32 @!p0 $0x28, s1;
	s0 =	sshll.u32 @!p0 s0, $0x4  }
0x2b4: {  	[spmem:s0] =	stream.linear.scatter @!p0 [tilespmem:s1], [sflag:$0x1], $0x10, $0x38;
	[tilespmem:$0x1F0F8] =	vst v63  }
0x2b5: {  	s0 =	simm.s32 @!p0 $0x12  }
0x2b6: {  	s28 =	simm.s32 $0x1;
	s0 =	simm.s32 @p0 $0x2  }
0x2b7: {  	_ =	swait.ge [sflag:s28], s0  }
0x2b8: {  	s0 =	ssub.s32 $0x0, s0;
	[sflag:s28] =	ssyncset.done $0x0  }
0x2b9: {  	p0 =	sne.s32 s16, $0x0;
	[sflag:s28] =	ssyncadd.s32 s0  }
.Ltmp18:
0x2ba: {  	_ =	sfence.stream.spmem;
	(pc) =	sbr.rel @p0 .LBB2_38-.Ltmp18, $4  }
0x2bb: {  	s29 =	simm.s32 $0x3;
	[bflag:$0x0] =	sbarrier.arrive $0xFFFF  }
0x2bc: {  	s30 =	simm.s32 $0x4;
	[sflag:s29] =	ssyncpa.u1 $0x1  }
0x2bd: {  	s31 =	simm.s32 $0x3C;
	[sflag:s30] =	ssyncpa.u1 $0x1  }
0x2be: {  	s17 =	rddreg [dreg:$0x5];
	[sflag:s31] =	ssyncpa.u1 $0x1  }
0x2bf: {  	_ =	sfence.stream.spmem;
	s0 =	simm.s32 $0x5  }
0x2c0: {  	s1 =	simm.s32 $0x200;
	s2 =	simm.s32 $0x3658;
	[sflag:s0] =	ssyncpa.u1 $0x0  }
0x2c1: {  	[tilespmem:s2], [sflag:$0x5] =	stream.linear.gather [spmem:s1], $0x20, $0x38;
	[tilespmem:$0x1F0F8] =	vst v63  }
0x2c2: {  	s26 =	simm.s32 $0x0;
	s28 =	simm.s32 $0x3678  }
0x2c3: {  	[tilespmem:s28], [sflag:$0x5] =	stream.linear.gather [spmem:s26], $0x200, $0x38;
	[tilespmem:$0x1F0F8] =	vst v63  }
0x2c4: {  	_ =	swait.ge [sflag:s0], $0x220  }
0x2c5: {  	[sflag:s0] =	ssyncset.done $0x0  }
0x2c6: {  	s29 =	simm.s32 $0x0;
	[sflag:s0] =	ssyncadd.s32 $0xFFFFFDE0  }
0x2c7: {  	v0 =	vld.msk [tilespmem:s29+$0x3658], $0x1;
	_ =	sdelay $0x1  }
0x2c8: {  	s30 =	simm.s32 $0x1  }
0x2c9: {  	v1 =	vld.msk [tilespmem:s30+$0x3658], $0x1;
	_ =	sdelay $0x1  }
0x2ca: {  	(v2sf) =	vpush v0, $0x0;
	_ =	sdelay $0x2  }
0x2cb: {  	(v2sf) =	vpush v1, $0x0;
	_ =	sdelay $0x2  }
0x2cc: {  	s31 =	simm.s32 $0x2  }
0x2cd: {  	v0 =	vld.msk [tilespmem:s31+$0x3658], $0x1;
	_ =	sdelay $0x2  }
0x2ce: {  	s6 =	simm.s32 $0xFFFFFFFF;
	s1 =	simm.s32 $0xFFFFFFFF;
	s0 =	simm.s32 $0xC  }
.LBB2_23:
0x2cf: {  	s2 =	smov.u32 s6;
	s4 =	smov.u32 s1  }
0x2d0: {  	s1 =	sshra.s32 s0, $0x2;
	p1 =	sne.s32 s0, $0x7C;
	s0 =	sadd.s32 $0x4, s0;
	(v2sf) =	vpush v0, $0x0  }
0x2d1: {  	v0 =	vld.msk [tilespmem:s1+$0x3658], $0x1  }
.Ltmp19:
0x2d2: {  	(pc) =	sbr.rel @p1 .LBB2_23-.Ltmp19, $4  }
0x2d3: {  	s6 =	spop (v2sf)  }
0x2d4: {  	p2 =	sne.s32 s4, $0xFFFFFFFF;
	s1 =	smov.u32 s6  }
0x2d5: {  	p3 =	seq.s32 s6, $0xFFFFFFFF;
	s1 =	smov.u32 @p2 s4  }
0x2d6: {  	s6 =	smov.u32 @p3 s2;
	s1 =	smov.u32 @p3 s4  }
0x2d7: {  	(v2sf) =	vpush v0, $0x0;
	_ =	sdelay $0x8  }
0x2d8: {  	s0 =	spop (v2sf)  }
0x2d9: {  	p1 =	sne.s32 s1, $0xFFFFFFFF;
	s2 =	smov.u32 s0  }
0x2da: {  	s9 =	simm.s32 $0x6;
	p2 =	seq.s32 s0, $0xFFFFFFFF;
	s2 =	smov.u32 @p1 s1  }
0x2db: {  	s10 =	simm.s32 $0x3638;
	s2 =	smov.u32 @p2 s1;
	s1 =	spop (v2sf)  }
0x2dc: {  	s0 =	smov.u32 @p2 s6;
	p1 =	sne.s32 s2, $0xFFFFFFFF;
	s4 =	smov.u32 s1  }
.Ltmp20:
0x2dd: {  	p2 =	seq.s32 s1, $0xFFFFFFFF;
	s4 =	smov.u32 @p1 s2;
	(pc) =	sbr.rel .LBB2_25-.Ltmp20, $4  }
0x2de: {  	s11 =	simm.s32 $0x0;
	s4 =	smov.u32 @p2 s2;
	s7 =	spop (v2sf)  }
0x2df: {  	[sflag:s9] =	ssyncpa.u1 $0x0;
	p1 =	sne.s32 s4, $0xFFFFFFFF;
	s8 =	smov.u32 s7  }
0x2e0: {  	s1 =	smov.u32 @p2 s0;
	p2 =	seq.s32 s7, $0xFFFFFFFF;
	s8 =	smov.u32 @p1 s4  }
0x2e1: {  	s6 =	simm.s32 $0x0;
	s7 =	smov.u32 @p2 s1;
	s8 =	smov.u32 @p2 s4  }
.LBB2_30:
0x2e2: {  	p1 =	sgt.u32 s12, $0x270FF  }
0x2e3: {  	p2 =	seq.s32 @!p1 s12, s8  }
0x2e4: {  	p1 =	por p1, p2  }
0x2e5: {  	p2 =	sne.s32 @!p1 s12, s7  }
0x2e6: {  	p1 =	por p1, !p2  }
0x2e7: {  	s0 =	sshll.u32 @p1 s11, $0x6  }
0x2e8: {  	s0 =	sand.u32 @!p1 $0x3FFF8, s12  }
0x2e9: {  	s1 =	sand.u32 @!p1 $0x7, s12;
	s0 =	sadd.s32 @!p1 s3, s0  }
0x2ea: {  	[tilespmem:s10], [sflag:$0x6] =	stream.linear.gather @!p1 [hbm4b:s0+s1], $0x4, $0x38;
	[tilespmem:$0x1F0F8] =	vst v63  }
0x2eb: {  	_ =	swait.ge @!p1 [sflag:s9], $0x4  }
0x2ec: {  	[sflag:s9] =	ssyncset.done @!p1 $0x0  }
0x2ed: {  	[sflag:s9] =	ssyncadd.s32 @!p1 $0xFFFFFFFC  }
0x2ee: {  	v1 =	vld @!p1 [tilespmem:$0x3638];
	_ =	sdelay $0x2  }
0x2ef: {  	s0 =	sshll.u32 @!p1 s11, $0x6  }
0x2f0: {  	s1 =	sshrl.u32 @!p1 s0, $0x2  }
0x2f1: {  	[tilespmem:s1+$0x3678] =	vst.add.f32.msk @!p1 $0xffff, v1  }
0x2f2: {  	s0 =	sshrl.u32 s0, $0x2;
	[tilespmem:s6+$0x3658] =	vst.msk $0x1, v0  }
0x2f3: {  	v0 =	vld [tilespmem:s0+$0x3678];
	_ =	sdelay $0x2  }
0x2f4: {  	s31 =	sshll.u32 s6, $0x6  }
0x2f5: {  	s0 =	sshra.s32 s31, $0x2  }
0x2f6: {  	s6 =	sadd.s32 $0x1, s6;
	[tilespmem:s0+$0x3678] =	vst v0  }
.LBB2_32:
0x2f7: {  	s11 =	sadd.s32 $0x1, s11  }
0x2f8: {  	p1 =	sne.s32 s11, $0x20  }
.Ltmp21:
0x2f9: {  	_ = 	snop;
	(pc) =	sbr.rel @!p1 .LBB2_33-.Ltmp21, $1  }
0x2fa: {  	_ =	sdelay $0x3  }
.LBB2_25:
0x2fb: {  	v0 =	vld.msk [tilespmem:s11+$0x3658], $0x1;
	_ =	sdelay $0x4  }
0x2fc: {  	(v2sf) =	vpush v0, $0x0;
	_ =	sdelay $0xe  }
0x2fd: {  	s12 =	spop (v2sf)  }
0x2fe: {  	p1 =	seq.s32 s12, $0xFFFFFFFF  }
.Ltmp22:
0x2ff: {  	_ = 	snop;
	(pc) =	sbr.rel @p1 .LBB2_32-.Ltmp22, $1  }
0x300: {  	_ =	sdelay $0x3  }
0x301: {  	p1 =	slt.s32 s6, $0x1  }
.Ltmp23:
0x302: {  	_ = 	snop;
	(pc) =	sbr.rel @p1 .LBB2_30-.Ltmp23, $1  }
0x303: {  	_ =	sdelay $0x3  }
0x304: {  	s13 =	simm.s32 $0x3658;
	p1 =	por $0x0, $0x0  }
0x305: {  	v1 =	vld.msk @!p1 [tilespmem:s13+$0x0], $0x1;
	_ =	sdelay $0x4  }
0x306: {  	(v2sf) =	vpush @!p1 v1, $0x0;
	_ =	sdelay $0xd  }
0x307: {  	p3 =	sne.s32 s6, $0x1  }
.Ltmp24:
0x308: {  	s0 =	spop @!p1 (v2sf);
	(pc) =	sbr.rel @!p3 .LBB2_29-.Ltmp24, $4  }
0x309: {  	p2 =	seq.s32 @!p1 s12, s0  }
0x30a: {  	s14 =	simm.s32 $0x0;
	p2 =	por !p2, p1  }
0x30b: {  	s0 =	simm.s32 $0xFFFFFFFF;
	s14 =	simm.s32 @p2 $0xFFFFFFFF  }
0x30c: {  	s15 =	simm.s32 $0x1;
	s14 =	smov.u32 @p1 s0  }
.LBB2_28:
0x30d: {  	s0 =	smov.u32 s14;
	p1 =	sne.s32 s14, $0xFFFFFFFF  }
0x30e: {  	s13 =	sadd.s32 $0x1, s13;
	s14 =	smov.u32 s15;
	s15 =	sadd.s32 $0x1, s15  }
0x30f: {  	p2 =	sne.s32 s6, s15;
	v1 =	vld.msk @!p1 [tilespmem:s13+$0x0], $0x1;
	_ =	sdelay $0x4  }
0x310: {  	(v2sf) =	vpush @!p1 v1, $0x0;
	_ =	sdelay $0xe  }
.Ltmp25:
0x311: {  	s1 =	spop @!p1 (v2sf);
	(pc) =	sbr.rel @p2 .LBB2_28-.Ltmp25, $4  }
0x312: {  	p3 =	seq.s32 @!p1 s12, s1  }
0x313: {  	p3 =	por !p3, p1  }
0x314: {  	s14 =	simm.s32 @p3 $0xFFFFFFFF  }
0x315: {  	s14 =	smov.u32 @p1 s0  }
.LBB2_29:
0x316: {  	p1 =	sne.s32 s14, $0xFFFFFFFF  }
.Ltmp26:
0x317: {  	_ = 	snop;
	(pc) =	sbr.rel @!p1 .LBB2_30-.Ltmp26, $1  }
0x318: {  	_ =	sdelay $0x3  }
0x319: {  	s0 =	sshll.u32 s11, $0x4  }
0x31a: {  	s0 =	sand.u32 $0x3FFFFFF0, s0  }
0x31b: {  	v0 =	vld [tilespmem:s0+$0x3678]  }
.Ltmp27:
0x31c: {  	_ = 	snop;
	(pc) =	sbr.rel .LBB2_32-.Ltmp27, $4  }
0x31d: {  	_ = 	snop  }
0x31e: {  	s31 =	sshll.u32 s14, $0x6  }
0x31f: {  	s0 =	sshra.s32 s31, $0x2  }
0x320: {  	[tilespmem:s0+$0x3678] =	vst.add.f32.msk $0xffff, v0  }
.LBB2_33:
0x321: {  	s0 =	simm.s32 $0x6;
	p1 =	seq.s32 s6, $0x0  }
0x322: {  	[sflag:s0] =	ssyncpa.u1 $0x1;
	v0 =	vimm.s32 @p1 $0xFFFFFFFF  }
0x323: {  	s9 =	sadd.s32 $0xFFFFFFFF, s6;
	[tilespmem:$0x3878] =	vst @p1 v0  }
0x324: {  	v0 =	vld.msk @!p1 [tilespmem:s9+$0x3658], $0x1;
	_ =	sdelay $0x1  }
0x325: {  	v1 =	vld.msk @!p1 [tilespmem:$0x3658], $0x1;
	_ =	sdelay $0x2  }
0x326: {  	p2 =	seq.s32 @!p1 s9, $0x0;
	v0 =	vbroadcast @!p1 v0, $0x0  }
0x327: {  	vm0 =	vmmov @!p1 $0x1;
	p2 =	por !p2, p1  }
0x328: {  	v1 =	vnsel @!p1 vm0, $0xFFFFFFFF, v1;
	vm0 =	vcmask @!p1 $0x308;
	v0 =	vpsel !p2, $0xFFFFFFFF, v0  }
0x329: {  	p2 =	sne.s32 @!p1 s8, s7;
	v0 =	vsel @!p1 vm0, v1, v0  }
0x32a: {  	s0 =	simm.s32 @!p1 $0x3678;
	s1 =	simm.s32 @!p1 $0x0;
	p3 =	por !p2, p1;
	[tilespmem:$0x3878] =	vst @!p1 v0  }
0x32b: {  	[spmem:s1] =	stream.linear.scatter @!p1 [tilespmem:s0], [sflag:$0x1], $0x10, $0x38;
	[tilespmem:$0x1F0F8] =	vst v63  }
0x32c: {  	s0 =	sshll.u32 @!p3 s9, $0x6  }
0x32d: {  	s0 =	sshra.s32 @!p3 s0, $0x2  }
0x32e: {  	s1 =	simm.s32 @!p3 $0x10;
	s0 =	sadd.s32 @!p3 $0x3678, s0  }
0x32f: {  	[spmem:s1] =	stream.linear.scatter @!p3 [tilespmem:s0], [sflag:$0x1], $0x10, $0x38;
	[tilespmem:$0x1F0F8] =	vst v63  }
0x330: {  	s0 =	simm.s32 @!p3 $0x1  }
0x331: {  	_ =	swait.ge @!p3 [sflag:s0], $0x20  }
0x332: {  	p1 =	por p2, p1;
	[sflag:s0] =	ssyncset.done @!p3 $0x0  }
0x333: {  	[sflag:s0] =	ssyncadd.s32 @!p3 $0xFFFFFFE0;
	s0 =	simm.s32 @!p1 $0x1  }
0x334: {  	_ =	swait.ge @!p1 [sflag:s0], $0x10  }
0x335: {  	s29 =	simm.s32 $0x3878;
	[sflag:s0] =	ssyncset.done @!p1 $0x0  }
0x336: {  	s30 =	simm.s32 $0x200;
	s31 =	simm.s32 $0x1;
	[sflag:s0] =	ssyncadd.s32 @!p1 $0xFFFFFFF0  }
0x337: {  	[spmem:s30] =	stream.linear.scatter [tilespmem:s29], [sflag:$0x1], $0x10, $0x38;
	[tilespmem:$0x1F0F8] =	vst v63  }
0x338: {  	_ =	swait.ge [sflag:s31], $0x10  }
0x339: {  	[sflag:s31] =	ssyncset.done $0x0  }
0x33a: {  	p1 =	seq.s32 s17, $0x0;
	s8 =	rddreg [dreg:$0x1];
	[sflag:s31] =	ssyncadd.s32 $0xFFFFFFF0  }
0x33b: {  	s1 =	sshll.u32 @p1 s8, $0xE;
	s7 =	rddreg [dreg:$0x2]  }
0x33c: {  	s0 =	sadd.s32 @p1 $0x15C3C, s1;
	s1 =	sshll.u32 @p1 s7, $0x11  }
0x33d: {  	_ =	sfence.stream.spmem;
	s0 =	sor.u32 @p1 s1, s0  }
0x33e: {  	[sflag:s0] =	ssyncadd.remote.s32 @p1 $0x1;
	s0 =	simm.s32 @p1 $0x4  }
0x33f: {  	s2 =	simm.s32 @!p1 $0x3C;
	s1 =	sand.u32 $0xFFFFFFFE, s8;
	_ =	swait.ge @p1 [sflag:s0], $0x6  }
0x340: {  	s4 =	simm.s32 @!p1 $0x0;
	s1 =	sadd.s32 @!p1 $0x4, s1;
	[sflag:s0] =	ssyncset.done @p1 $0x0  }
0x341: {  	s5 =	simm.s32 @!p1 $0x20;
	[sflag:s0] =	ssyncadd.s32 @p1 $0xFFFFFFFA;
	s0 =	sshll.u32 @!p1 s1, $0x1A  }
0x342: {  	s1 =	sshll.u32 @!p1 s1, $0xD;
	s0 =	sor.u32 @!p1 s0, s7;
	_ =	swait.eq @!p1 [sflag:s2], $0x1  }
0x343: {  	s1 =	sor.u32 @!p1 $0x1C04, s1;
	s2 =	simm.s32 @!p1 $0x1C03;
	s0 =	sor.u32 @!p1 $0x80004000, s0  }
0x344: {  	[spmem:s5], [sflag:s1] =	dma.general @!p1 [spmem:s4], [sflag:s2], length:$0x4, [dreg:$0x0], stride_count:$0x0, ici_dest:s0, dma_misc:DstOpCode:WRITE  }
0x345: {  	p2 =	slt.s32 s9, $0x2;
	s4 =	simm.s32 @!p1 $0x40;
	s5 =	simm.s32 @!p1 $0x42  }
0x346: {  	[spmem:s5], [sflag:s1] =	dma.general @!p1 [spmem:s4], [sflag:s2], length:$0x2, [dreg:$0x0], stride_count:$0x0, ici_dest:s0, dma_misc:DstOpCode:WRITE  }
.Ltmp28:
0x347: {  	s0 =	simm.s32 @!p1 $0x3;
	(pc) =	sbr.rel @p2 .LBB2_37-.Ltmp28, $4  }
0x348: {  	s1 =	sshll.u32 @!p1 s8, $0xE;
	_ =	swait.ge @!p1 [sflag:s0], $0x6  }
0x349: {  	s2 =	sshll.u32 @!p1 s7, $0x11;
	s1 =	sadd.s32 @!p1 $0x11C3C, s1;
	[sflag:s0] =	ssyncset.done @!p1 $0x0  }
0x34a: {  	[sflag:s0] =	ssyncadd.s32 @!p1 $0xFFFFFFFA;
	s0 =	sor.u32 @!p1 s2, s1  }
0x34b: {  	[sflag:s0] =	ssyncadd.remote.s32 @!p1 $0xFFFFFFFF;
	s0 =	simm.s32 $0x0  }
0x34c: {  	s0 =	simm.s32 $0x3659  }
0x34d: {  	v0 =	vld.msk [tilespmem:s0+$0x0], $0x1;
	_ =	sdelay $0x4  }
0x34e: {  	(v2sf) =	vpush v0, $0x0;
	_ =	sdelay $0xd  }
0x34f: {  	s2 =	sadd.s32 $0xFFFFFFFE, s6  }
0x350: {  	s2 =	sadd.s32 $0xFFFFFFFF, s2;
	s0 =	spop (v2sf)  }
0x351: {  	p2 =	sne.s32 s2, $0x0;
	p1 =	sgt.u32 s0, $0x270FF  }
.Ltmp29:
0x352: {  	s4 =	sand.u32 @!p1 $0x3FFF8, s0;
	(pc) =	sbr.rel @!p2 .LBB2_36-.Ltmp29, $4  }
0x353: {  	s1 =	simm.s32 $0x3688;
	s0 =	sand.u32 @!p1 $0x7, s0;
	s4 =	sadd.s32 @!p1 s3, s4  }
0x354: {  	[hbm4b:s4+s0] =	stream.linear.scatter @!p1 [tilespmem:s1], [sflag:$0x5], $0x4, $0x38;
	[tilespmem:$0x1F0F8] =	vst v63  }
0x355: {  	s0 =	simm.s32 $0x0  }
0x356: {  	s6 =	simm.s32 $0x0;
	s7 =	simm.s32 $0x365A;
	s0 =	simm.s32 @!p1 $0x10  }
.LBB2_35:
0x357: {  	v0 =	vld.msk [tilespmem:s7+$0x0], $0x1;
	s2 =	sadd.s32 $0xFFFFFFFF, s2;
	s6 =	sadd.s32 s6, s0  }
0x358: {  	p1 =	sne.s32 s2, $0x0;
	_ =	sdelay $0x3  }
0x359: {  	(v2sf) =	vpush v0, $0x0;
	_ =	sdelay $0xe  }
.Ltmp30:
0x35a: {  	s4 =	spop (v2sf);
	(pc) =	sbr.rel @p1 .LBB2_35-.Ltmp30, $4  }
0x35b: {  	s0 =	simm.s32 $0x0;
	p2 =	sgt.u32 s4, $0x270FF  }
0x35c: {  	s1 =	sadd.s32 $0x10, s1;
	s0 =	simm.s32 @!p2 $0x10;
	s5 =	sand.u32 @!p2 $0x3FFF8, s4  }
0x35d: {  	s7 =	sadd.s32 $0x1, s7;
	s4 =	sand.u32 @!p2 $0x7, s4;
	s5 =	sadd.s32 @!p2 s3, s5  }
0x35e: {  	[hbm4b:s5+s4] =	stream.linear.scatter @!p2 [tilespmem:s1], [sflag:$0x5], $0x4, $0x38;
	[tilespmem:$0x1F0F8] =	vst v63  }
.LBB2_36:
0x35f: {  	s0 =	sadd.s32 s6, s0  }
0x360: {  	s0 =	sshrl.u32 s0, $0x2  }
.LBB2_37:
0x361: {  	s1 =	simm.s32 $0x5  }
0x362: {  	_ =	swait.ge [sflag:s1], s0  }
0x363: {  	s31 =	ssub.s32 $0x0, s0;
	[sflag:s1] =	ssyncset.done $0x0  }
0x364: {  	[sflag:s1] =	ssyncadd.s32 s31  }
0x365: {  	[sflag:s1] =	ssyncpa.u1 $0x1  }
.LBB2_38:
0x366: {  	s0 =	sor.u32 s17, s16  }
0x367: {  	p1 =	sne.s32 s0, $0x0  }
.Ltmp31:
0x368: {  	_ = 	snop;
	(pc) =	sbr.rel @p1 .LBB2_53-.Ltmp31, $3  }
0x369: {  	_ =	sdelay $0x1  }
0x36a: {  	[bflag:$0x0] =	sbarrier.arrive $0xFFFF  }
0x36b: {  	_ =	sfence  }
0x36c: {  	s0 =	simm.s32 $0x7  }
0x36d: {  	s1 =	simm.s32 $0x200;
	s2 =	simm.s32 $0x3658;
	[sflag:s0] =	ssyncpa.u1 $0x0  }
0x36e: {  	[tilespmem:s2], [sflag:$0x7] =	stream.linear.gather [spmem:s1], $0x20, $0x38;
	[tilespmem:$0x1F0F8] =	vst v63  }
0x36f: {  	s30 =	simm.s32 $0x3678;
	s1 =	simm.s32 $0x0  }
0x370: {  	[tilespmem:s30], [sflag:$0x7] =	stream.linear.gather [spmem:s1], $0x200, $0x38;
	[tilespmem:$0x1F0F8] =	vst v63  }
.Ltmp32:
0x371: {  	_ = 	snop;
	(pc) =	sbr.rel .LBB2_40-.Ltmp32, $4  }
0x372: {  	_ =	swait.ge [sflag:s0], $0x220  }
0x373: {  	[sflag:s0] =	ssyncset.done $0x0  }
0x374: {  	s31 =	simm.s32 $0x8;
	[sflag:s0] =	ssyncadd.s32 $0xFFFFFDE0  }
0x375: {  	s2 =	simm.s32 $0x0;
	[sflag:s31] =	ssyncpa.u1 $0x0  }
.LBB2_45:
0x376: {  	p1 =	slt.u32 s4, $0x27100  }
0x377: {  	s0 =	sand.u32 @p1 $0x3FFF8, s4  }
0x378: {  	s4 =	sand.u32 @p1 $0x7, s4;
	s5 =	simm.s32 @p1 $0x3638;
	s0 =	sadd.s32 @p1 s3, s0  }
0x379: {  	[tilespmem:s5], [sflag:$0x8] =	stream.linear.gather @p1 [hbm4b:s0+s4], $0x4, $0x38;
	[tilespmem:$0x1F0F8] =	vst v63  }
0x37a: {  	s0 =	simm.s32 @p1 $0x8  }
0x37b: {  	_ =	swait.ge @p1 [sflag:s0], $0x4  }
0x37c: {  	[sflag:s0] =	ssyncset.done @p1 $0x0  }
0x37d: {  	[sflag:s0] =	ssyncadd.s32 @p1 $0xFFFFFFFC  }
0x37e: {  	v1 =	vld @p1 [tilespmem:$0x3638];
	_ =	sdelay $0x2  }
0x37f: {  	s0 =	sshll.u32 @p1 s2, $0x6  }
0x380: {  	s5 =	sshll.u32 @!p1 s2, $0x6;
	s4 =	sshrl.u32 @p1 s0, $0x2  }
0x381: {  	s5 =	smov.u32 @p1 s0;
	[tilespmem:s4+$0x3678] =	vst.add.f32.msk @p1 $0xffff, v1  }
0x382: {  	s0 =	sshrl.u32 s5, $0x2;
	[tilespmem:s1+$0x3658] =	vst.msk $0x1, v0  }
0x383: {  	v0 =	vld [tilespmem:s0+$0x3678];
	_ =	sdelay $0x2  }
0x384: {  	s31 =	sshll.u32 s1, $0x6  }
0x385: {  	s0 =	sshra.s32 s31, $0x2  }
0x386: {  	s1 =	sadd.s32 $0x1, s1;
	[tilespmem:s0+$0x3678] =	vst v0  }
.LBB2_47:
0x387: {  	s2 =	sadd.s32 $0x1, s2  }
0x388: {  	p1 =	sne.s32 s2, $0x20  }
.Ltmp33:
0x389: {  	_ = 	snop;
	(pc) =	sbr.rel @!p1 .LBB2_48-.Ltmp33, $1  }
0x38a: {  	_ =	sdelay $0x3  }
.LBB2_40:
0x38b: {  	v0 =	vld.msk [tilespmem:s2+$0x3658], $0x1;
	_ =	sdelay $0x4  }
0x38c: {  	(v2sf) =	vpush v0, $0x0;
	_ =	sdelay $0xe  }
0x38d: {  	s4 =	spop (v2sf)  }
0x38e: {  	p1 =	seq.s32 s4, $0xFFFFFFFF  }
.Ltmp34:
0x38f: {  	_ = 	snop;
	(pc) =	sbr.rel @p1 .LBB2_47-.Ltmp34, $1  }
0x390: {  	_ =	sdelay $0x3  }
0x391: {  	p1 =	slt.s32 s1, $0x1  }
.Ltmp35:
0x392: {  	_ = 	snop;
	(pc) =	sbr.rel @p1 .LBB2_45-.Ltmp35, $1  }
0x393: {  	_ =	sdelay $0x3  }
0x394: {  	s5 =	simm.s32 $0x3658;
	p1 =	por $0x0, $0x0  }
0x395: {  	v1 =	vld.msk @!p1 [tilespmem:s5+$0x0], $0x1;
	_ =	sdelay $0x4  }
0x396: {  	(v2sf) =	vpush @!p1 v1, $0x0;
	_ =	sdelay $0xd  }
0x397: {  	p3 =	sne.s32 s1, $0x1  }
.Ltmp36:
0x398: {  	s0 =	spop @!p1 (v2sf);
	(pc) =	sbr.rel @!p3 .LBB2_44-.Ltmp36, $4  }
0x399: {  	p2 =	seq.s32 @!p1 s4, s0  }
0x39a: {  	s6 =	simm.s32 $0x0;
	p2 =	por !p2, p1  }
0x39b: {  	s0 =	simm.s32 $0xFFFFFFFF;
	s6 =	simm.s32 @p2 $0xFFFFFFFF  }
0x39c: {  	s7 =	simm.s32 $0x1;
	s6 =	smov.u32 @p1 s0  }
.LBB2_43:
0x39d: {  	s0 =	smov.u32 s6;
	p1 =	sne.s32 s6, $0xFFFFFFFF  }
0x39e: {  	s5 =	sadd.s32 $0x1, s5;
	s6 =	smov.u32 s7;
	s7 =	sadd.s32 $0x1, s7  }
0x39f: {  	p2 =	sne.s32 s1, s7;
	v1 =	vld.msk @!p1 [tilespmem:s5+$0x0], $0x1;
	_ =	sdelay $0x4  }
0x3a0: {  	(v2sf) =	vpush @!p1 v1, $0x0;
	_ =	sdelay $0xe  }
.Ltmp37:
0x3a1: {  	s8 =	spop @!p1 (v2sf);
	(pc) =	sbr.rel @p2 .LBB2_43-.Ltmp37, $4  }
0x3a2: {  	p3 =	seq.s32 @!p1 s4, s8  }
0x3a3: {  	p3 =	por !p3, p1  }
0x3a4: {  	s6 =	simm.s32 @p3 $0xFFFFFFFF  }
0x3a5: {  	s6 =	smov.u32 @p1 s0  }
.LBB2_44:
0x3a6: {  	p1 =	sne.s32 s6, $0xFFFFFFFF  }
.Ltmp38:
0x3a7: {  	_ = 	snop;
	(pc) =	sbr.rel @!p1 .LBB2_45-.Ltmp38, $1  }
0x3a8: {  	_ =	sdelay $0x3  }
0x3a9: {  	s0 =	sshll.u32 s2, $0x4  }
0x3aa: {  	s0 =	sand.u32 $0x3FFFFFF0, s0  }
0x3ab: {  	v0 =	vld [tilespmem:s0+$0x3678]  }
.Ltmp39:
0x3ac: {  	_ = 	snop;
	(pc) =	sbr.rel .LBB2_47-.Ltmp39, $4  }
0x3ad: {  	_ = 	snop  }
0x3ae: {  	s31 =	sshll.u32 s6, $0x6  }
0x3af: {  	s0 =	sshra.s32 s31, $0x2  }
0x3b0: {  	[tilespmem:s0+$0x3678] =	vst.add.f32.msk $0xffff, v0  }
.LBB2_48:
0x3b1: {  	p1 =	slt.s32 s1, $0x1  }
.Ltmp40:
0x3b2: {  	_ = 	snop;
	(pc) =	sbr.rel @p1 .LBB2_52-.Ltmp40, $3  }
0x3b3: {  	_ =	sdelay $0x1  }
0x3b4: {  	s0 =	simm.s32 $0x8  }
0x3b5: {  	s2 =	simm.s32 $0x0;
	[sflag:s0] =	ssyncpa.u1 $0x1  }
0x3b6: {  	s0 =	simm.s32 $0x3658  }
0x3b7: {  	v0 =	vld.msk [tilespmem:s0+$0x0], $0x1;
	_ =	sdelay $0x4  }
0x3b8: {  	(v2sf) =	vpush v0, $0x0;
	_ =	sdelay $0xe  }
0x3b9: {  	s1 =	sadd.s32 $0xFFFFFFFF, s1;
	s0 =	spop (v2sf)  }
0x3ba: {  	p2 =	sne.s32 s1, $0x0;
	p1 =	sgt.u32 s0, $0x270FF  }
.Ltmp41:
0x3bb: {  	s5 =	sand.u32 @!p1 $0x3FFF8, s0;
	(pc) =	sbr.rel @!p2 .LBB2_51-.Ltmp41, $4  }
0x3bc: {  	s4 =	simm.s32 $0x3678;
	s0 =	sand.u32 @!p1 $0x7, s0;
	s5 =	sadd.s32 @!p1 s3, s5  }
0x3bd: {  	[hbm4b:s5+s0] =	stream.linear.scatter @!p1 [tilespmem:s4], [sflag:$0x7], $0x4, $0x38;
	[tilespmem:$0x1F0F8] =	vst v63  }
0x3be: {  	s0 =	simm.s32 $0x0  }
0x3bf: {  	s5 =	simm.s32 $0x3659;
	s0 =	simm.s32 @!p1 $0x10  }
.LBB2_50:
0x3c0: {  	v0 =	vld.msk [tilespmem:s5+$0x0], $0x1;
	s1 =	sadd.s32 $0xFFFFFFFF, s1;
	s2 =	sadd.s32 s2, s0  }
0x3c1: {  	p1 =	sne.s32 s1, $0x0;
	_ =	sdelay $0x3  }
0x3c2: {  	(v2sf) =	vpush v0, $0x0;
	_ =	sdelay $0xe  }
.Ltmp42:
0x3c3: {  	s6 =	spop (v2sf);
	(pc) =	sbr.rel @p1 .LBB2_50-.Ltmp42, $4  }
0x3c4: {  	s0 =	simm.s32 $0x0;
	p2 =	sgt.u32 s6, $0x270FF  }
0x3c5: {  	s4 =	sadd.s32 $0x10, s4;
	s0 =	simm.s32 @!p2 $0x10;
	s7 =	sand.u32 @!p2 $0x3FFF8, s6  }
0x3c6: {  	s5 =	sadd.s32 $0x1, s5;
	s6 =	sand.u32 @!p2 $0x7, s6;
	s7 =	sadd.s32 @!p2 s3, s7  }
0x3c7: {  	[hbm4b:s7+s6] =	stream.linear.scatter @!p2 [tilespmem:s4], [sflag:$0x7], $0x4, $0x38;
	[tilespmem:$0x1F0F8] =	vst v63  }
.LBB2_51:
0x3c8: {  	s0 =	sadd.s32 s2, s0  }
0x3c9: {  	s2 =	sshrl.u32 s0, $0x2  }
.LBB2_52:
0x3ca: {  	s0 =	simm.s32 $0x7  }
0x3cb: {  	_ =	swait.ge [sflag:s0], s2  }
0x3cc: {  	s1 =	ssub.s32 $0x0, s2;
	[sflag:s0] =	ssyncset.done $0x0  }
0x3cd: {  	[sflag:s0] =	ssyncadd.s32 s1  }
0x3ce: {  	[sflag:s0] =	ssyncpa.u1 $0x1  }
.LBB2_53:
0x3cf: {  	_ =	sfence;
	s0 =	simm.s32 $0x1  }
0x3d0: {  	[sflag:s0] =	ssyncpa.u1 $0x1  }
0x3d1: {  	_ =	strace $0x90000047  }
0x3d2: {  	[bflag:$0x2] =	sbarrier.arrive $0xFFFF  }
0x3d3: {  	s0 =	rddreg [dreg:$0x3]  }
0x3d4: {  	s0 =	sadd.s32 @!p0 $0x100000, s0  }
0x3d5: {  	[sflag:s0] =	ssyncadd.tile.s32 @!p0 $0x1;
	_ =	shalt  }
.Lfunc_end2:
_tile_overlayer_lowered:
.L_overlay_start_2:
0x3d6: {  	(tag) =	ssettag $0x2  }
0x3d7: {  	s0 =	rddreg [dreg:$0x0];
	s2 =	stileid.u32  }
0x3d8: {  	s1 =	rddreg [dreg:$0x1];
	p0 =	sne.s32 s2, $0x0  }
0x3d9: {  	s3 =	rddreg [dreg:$0x2];
	[bflag:$0x3] =	sbarrier.arrive $0xFFFF;
	s2 =	simm.s32 @!p0 $0x1C01  }
0x3da: {  	[timem:s3], [sflag:s2] =	dma.local @!p0 [hbm:s0], s1  }
0x3db: {  	s0 =	simm.s32 @!p0 $0x1  }
0x3dc: {  	_ =	swait.ge @!p0 [sflag:s0], s1  }
0x3dd: {  	s1 =	ssub.s32 @!p0 $0x0, s1;
	[sflag:s0] =	ssyncset.done @!p0 $0x0  }
0x3de: {  	[sflag:s0] =	ssyncadd.s32 @!p0 s1  }
0x3df: {  	[bflag:$0x3] =	sbarrier.arrive $0xFFFF  }
0x3e0: {  	_ =	shalt  }

</sc_bundles>
